<compile_context>
chip_gen: v7x
topology: tpu7x:2x2x1
jax: 0.10.2.dev20260603
libtpu: 0.0.44.dev20260713+nightly
codegen_flags: <defaults>
</compile_context>

<pallas_src>
import jax
import jax.numpy as jnp
from jax import lax
from jax.experimental import pallas as pl
from jax.experimental.pallas import tpu as pltpu
from jax.experimental.pallas import tpu_sc as plsc

_B = 16384
_V = 1000000
_D = 64
_NC = 2
_NS = 16
_NW = _NC * _NS
_BW = _B // _NW
_CH = 128
_NCH = _BW // _CH
_L = 16


def _mf_body(uid, iid, uembT, iembT, ubias, ibias, gbias, out,
             uidx, iidx, uT, iT, ub, ib, gb, outv, sem):
    c = lax.axis_index("c")
    s = lax.axis_index("s")
    base = (s * _NC + c) * _BW

    pltpu.sync_copy(uid.at[pl.ds(base, _BW)], uidx)
    pltpu.sync_copy(iid.at[pl.ds(base, _BW)], iidx)
    pltpu.sync_copy(gbias, gb)

    for k in range(_NCH):
        sl = pl.ds(k * _CH, _CH)
        pltpu.async_copy(ubias.at[uidx.at[sl]], ub.at[sl], sem)
        pltpu.async_copy(ibias.at[iidx.at[sl]], ib.at[sl], sem)

    def fire(d, carry):
        for k in range(_NCH):
            sl = pl.ds(k * _CH, _CH)
            dsl = pl.ds(pl.multiple_of(d * _BW, _BW) + k * _CH, _CH)
            pltpu.async_copy(uembT.at[d].at[uidx.at[sl]], uT.at[dsl], sem)
            pltpu.async_copy(iembT.at[d].at[iidx.at[sl]], iT.at[dsl], sem)
        return carry

    lax.fori_loop(0, _D, fire, 0)

    pltpu.make_async_copy(uembT.at[0].at[pl.ds(0, _D * _BW)], uT, sem).wait()
    pltpu.make_async_copy(iembT.at[0].at[pl.ds(0, _D * _BW)], iT, sem).wait()
    pltpu.make_async_copy(ubias.at[pl.ds(0, _BW)], ub, sem).wait()
    pltpu.make_async_copy(ibias.at[pl.ds(0, _BW)], ib, sem).wait()

    gvec = gb[...]

    def group(g, carry):
        osl = pl.ds(g * _L, _L)
        accs = [None, None, None, None]
        for d in range(_D):
            csl = pl.ds(d * _BW + g * _L, _L)
            p = uT[csl] * iT[csl]
            accs[d % 4] = p if accs[d % 4] is None else accs[d % 4] + p
        acc = (accs[0] + accs[1]) + (accs[2] + accs[3])
        outv[osl] = acc + (ub[osl] + ib[osl]) + gvec
        return carry

    lax.fori_loop(0, _BW // _L, group, 0)
    pltpu.sync_copy(outv, out.at[pl.ds(base, _BW)])


def kernel(user_ids, item_ids, user_emb, item_emb, user_bias, item_bias, global_bias):
    uid = user_ids.astype(jnp.int32)
    iid = item_ids.astype(jnp.int32)
    uembT = user_emb.T
    iembT = item_emb.T
    ubias = user_bias.reshape(-1)
    ibias = item_bias.reshape(-1)
    gb16 = jnp.broadcast_to(global_bias.astype(jnp.float32), (_L,))
    mesh = plsc.VectorSubcoreMesh(core_axis_name="c", subcore_axis_name="s")
    f = pl.kernel(
        _mf_body,
        mesh=mesh,
        compiler_params=pltpu.CompilerParams(
            needs_layout_passes=False, use_tc_tiling_on_sc=False),
        out_type=jax.ShapeDtypeStruct((_B,), jnp.float32),
        scratch_types=[
            pltpu.VMEM((_BW,), jnp.int32),
            pltpu.VMEM((_BW,), jnp.int32),
            pltpu.VMEM((_D * _BW,), jnp.float32),
            pltpu.VMEM((_D * _BW,), jnp.float32),
            pltpu.VMEM((_BW,), jnp.float32),
            pltpu.VMEM((_BW,), jnp.float32),
            pltpu.VMEM((_L,), jnp.float32),
            pltpu.VMEM((_BW,), jnp.float32),
            pltpu.SemaphoreType.DMA,
        ],
    )
    return f(uid, iid, uembT, iembT, ubias, ibias, gb16)

# --- scband reference (transcript-rebuilt; emitter-appended) ---
"""Pipeline reference for scband-biased-mf-43525198578389 (READ-ONLY COPY).

The authoritative reference and input builder live on the scoring server;
editing this copy changes nothing except your own understanding.
"""

import jax, jax.numpy as jnp
import numpy as np

NUM_USERS = 1000000
NUM_ITEMS = 1000000
EMBED_DIM = 64
BATCH = 16384

def setup_inputs(seed: int = 0) -> dict:
    key = jax.random.key(seed)
    k1, k2, k3, k4 = jax.random.split(key, 4)
    user_ids = jax.random.randint(k1, (BATCH,), 0, NUM_USERS, dtype=jnp.int32).astype(jnp.int64)
    item_ids = jax.random.randint(k2, (BATCH,), 0, NUM_ITEMS, dtype=jnp.int32).astype(jnp.int64)
    user_emb = jax.random.normal(k3, (NUM_USERS, EMBED_DIM), dtype=jnp.float32) * 0.1
    item_emb = jax.random.normal(k4, (NUM_ITEMS, EMBED_DIM), dtype=jnp.float32) * 0.1
    user_bias = jnp.zeros((NUM_USERS, 1), dtype=jnp.float32)
    item_bias = jnp.zeros((NUM_ITEMS, 1), dtype=jnp.float32)
    global_bias = jnp.zeros((1,), dtype=jnp.float32)
    return {"user_ids": user_ids, "item_ids": item_ids,
            "user_emb": user_emb, "item_emb": item_emb,
            "user_bias": user_bias, "item_bias": item_bias,
            "global_bias": global_bias}

def reference(user_ids, item_ids, user_emb, item_emb, user_bias, item_bias, global_bias):
    # Embedding lookups (SparseCore-friendly gathers)
    user_h = jnp.take(user_emb, user_ids, axis=0)           # [B, D]
    item_h = jnp.take(item_emb, item_ids, axis=0)           # [B, D]
    user_b = jnp.take(user_bias, user_ids, axis=0).squeeze(-1)  # [B]
    item_b = jnp.take(item_bias, item_ids, axis=0).squeeze(-1)  # [B]
    preds = jnp.sum(user_h * item_h, axis=1)
    preds = preds + user_b + item_b + global_bias
    return preds

if __name__ == "__main__":
    import jax
    _d = setup_inputs()
    print(jax.jit(kernel)(*tuple(_d.values())))

</pallas_src>

<mosaic_0001>
#map = affine_map<(d0, d1) -> (0)>
#map1 = affine_map<(d0, d1) -> (0, 0)>
module attributes {stable_mosaic.version = 14 : i64} {
  func.func @_mf_body(%arg0: i32, %arg1: i32, %arg2: memref<16384xi32, #tpu.memory_space<hbm>>, %arg3: memref<16384xi32, #tpu.memory_space<hbm>>, %arg4: memref<64x1000000xf32, #tpu.memory_space<hbm>>, %arg5: memref<64x1000000xf32, #tpu.memory_space<hbm>>, %arg6: memref<1000000xf32, #tpu.memory_space<hbm>>, %arg7: memref<1000000xf32, #tpu.memory_space<hbm>>, %arg8: memref<16xf32, #tpu.memory_space<hbm>>, %arg9: memref<16384xf32, #tpu.memory_space<hbm>>, %arg10: memref<512xi32, #tpu.memory_space<vmem>>, %arg11: memref<512xi32, #tpu.memory_space<vmem>>, %arg12: memref<32768xf32, #tpu.memory_space<vmem>>, %arg13: memref<32768xf32, #tpu.memory_space<vmem>>, %arg14: memref<512xf32, #tpu.memory_space<vmem>>, %arg15: memref<512xf32, #tpu.memory_space<vmem>>, %arg16: memref<16xf32, #tpu.memory_space<vmem>>, %arg17: memref<512xf32, #tpu.memory_space<vmem>>, %arg18: memref<!tpu.dma_semaphore, #tpu.memory_space<semaphore_mem>>) attributes {dimension_semantics = [#tpu.dimension_semantics<core_parallel>, #tpu.dimension_semantics<subcore_parallel>], iteration_bounds = array<i64: 2, 16>, scalar_prefetch = 0 : i64, scratch_operands = 9 : i64, tpu.core_type = #tpu.core_type<sc_vector_subcore>, window_params = [{transform_indices = #map}, {transform_indices = #map}, {transform_indices = #map1}, {transform_indices = #map1}, {transform_indices = #map}, {transform_indices = #map}, {transform_indices = #map}, {transform_indices = #map}]} {
    %mul3A = arith.constant 2 : i32
    %mul3A_0 = arith.muli %arg1, %mul3A : i32
    %add3A = arith.addi %mul3A_0, %arg0 : i32
    %mul3A_1 = arith.constant 512 : i32
    %mul3A_2 = arith.muli %add3A, %mul3A_1 : i32
    "tpu.region"() ({
      %run_scoped3A = tpu.sem_alloc : memref<!tpu.dma_semaphore, #tpu.memory_space<semaphore_mem>>
      %dma_start3A_91 = tpu.memref_slice %arg2[%mul3A_2] : memref<16384xi32, #tpu.memory_space<hbm>> -> memref<512xi32, #tpu.memory_space<hbm>>
      %dma_start3A_92 = tpu.memref_slice %arg2[%mul3A_2] : memref<16384xi32, #tpu.memory_space<hbm>> -> memref<512xi32, #tpu.memory_space<hbm>>
      tpu.enqueue_dma source(%dma_start3A_92 : memref<512xi32, #tpu.memory_space<hbm>>) target(%arg10 : memref<512xi32, #tpu.memory_space<vmem>>) target_semaphore(%run_scoped3A : memref<!tpu.dma_semaphore, #tpu.memory_space<semaphore_mem>>)
      %dma_wait3A_93 = tpu.memref_slice %arg2[%mul3A_2] : memref<16384xi32, #tpu.memory_space<hbm>> -> memref<512xi32, #tpu.memory_space<hbm>>
      %dma_wait3A_94 = tpu.memref_slice %arg2[%mul3A_2] : memref<16384xi32, #tpu.memory_space<hbm>> -> memref<512xi32, #tpu.memory_space<hbm>>
      tpu.wait_dma2 semaphore(%run_scoped3A : memref<!tpu.dma_semaphore, #tpu.memory_space<semaphore_mem>>) src(%dma_wait3A_94 : memref<512xi32, #tpu.memory_space<hbm>>) dst(%arg10 : memref<512xi32, #tpu.memory_space<vmem>>)
      tpu.yield
    }) : () -> ()
    "tpu.region"() ({
      %run_scoped3A = tpu.sem_alloc : memref<!tpu.dma_semaphore, #tpu.memory_space<semaphore_mem>>
      %dma_start3A_91 = tpu.memref_slice %arg3[%mul3A_2] : memref<16384xi32, #tpu.memory_space<hbm>> -> memref<512xi32, #tpu.memory_space<hbm>>
      %dma_start3A_92 = tpu.memref_slice %arg3[%mul3A_2] : memref<16384xi32, #tpu.memory_space<hbm>> -> memref<512xi32, #tpu.memory_space<hbm>>
      tpu.enqueue_dma source(%dma_start3A_92 : memref<512xi32, #tpu.memory_space<hbm>>) target(%arg11 : memref<512xi32, #tpu.memory_space<vmem>>) target_semaphore(%run_scoped3A : memref<!tpu.dma_semaphore, #tpu.memory_space<semaphore_mem>>)
      %dma_wait3A_93 = tpu.memref_slice %arg3[%mul3A_2] : memref<16384xi32, #tpu.memory_space<hbm>> -> memref<512xi32, #tpu.memory_space<hbm>>
      %dma_wait3A_94 = tpu.memref_slice %arg3[%mul3A_2] : memref<16384xi32, #tpu.memory_space<hbm>> -> memref<512xi32, #tpu.memory_space<hbm>>
      tpu.wait_dma2 semaphore(%run_scoped3A : memref<!tpu.dma_semaphore, #tpu.memory_space<semaphore_mem>>) src(%dma_wait3A_94 : memref<512xi32, #tpu.memory_space<hbm>>) dst(%arg11 : memref<512xi32, #tpu.memory_space<vmem>>)
      tpu.yield
    }) : () -> ()
    "tpu.region"() ({
      %run_scoped3A = tpu.sem_alloc : memref<!tpu.dma_semaphore, #tpu.memory_space<semaphore_mem>>
      tpu.enqueue_dma source(%arg8 : memref<16xf32, #tpu.memory_space<hbm>>) target(%arg16 : memref<16xf32, #tpu.memory_space<vmem>>) target_semaphore(%run_scoped3A : memref<!tpu.dma_semaphore, #tpu.memory_space<semaphore_mem>>)
      tpu.wait_dma2 semaphore(%run_scoped3A : memref<!tpu.dma_semaphore, #tpu.memory_space<semaphore_mem>>) src(%arg8 : memref<16xf32, #tpu.memory_space<hbm>>) dst(%arg16 : memref<16xf32, #tpu.memory_space<vmem>>)
      tpu.yield
    }) : () -> ()
    %dma_start3A = arith.constant 0 : i32
    %dma_start3A_3 = tpu.memref_slice %arg14[%dma_start3A] : memref<512xf32, #tpu.memory_space<vmem>> -> memref<128xf32, #tpu.memory_space<vmem>>
    %dma_start3A_4 = arith.constant 0 : i32
    %dma_start3A_5 = tpu.memref_slice %arg10[%dma_start3A_4] : memref<512xi32, #tpu.memory_space<vmem>> -> memref<128xi32, #tpu.memory_space<vmem>>
    %dma_start3A_6 = arith.constant 0 : i32
    %dma_start3A_7 = tpu.memref_slice %arg6[%dma_start3A_6] : memref<1000000xf32, #tpu.memory_space<hbm>> -> memref<1000000xf32, #tpu.memory_space<hbm>>
    tpu.enqueue_indirect_dma source(%dma_start3A_7 : memref<1000000xf32, #tpu.memory_space<hbm>>) target(%dma_start3A_3 : memref<128xf32, #tpu.memory_space<vmem>>) offsets(%dma_start3A_5 : memref<128xi32, #tpu.memory_space<vmem>>) semaphore(%arg18 : memref<!tpu.dma_semaphore, #tpu.memory_space<semaphore_mem>>)
    %dma_start3A_8 = arith.constant 0 : i32
    %dma_start3A_9 = tpu.memref_slice %arg15[%dma_start3A_8] : memref<512xf32, #tpu.memory_space<vmem>> -> memref<128xf32, #tpu.memory_space<vmem>>
    %dma_start3A_10 = arith.constant 0 : i32
    %dma_start3A_11 = tpu.memref_slice %arg11[%dma_start3A_10] : memref<512xi32, #tpu.memory_space<vmem>> -> memref<128xi32, #tpu.memory_space<vmem>>
    %dma_start3A_12 = arith.constant 0 : i32
    %dma_start3A_13 = tpu.memref_slice %arg7[%dma_start3A_12] : memref<1000000xf32, #tpu.memory_space<hbm>> -> memref<1000000xf32, #tpu.memory_space<hbm>>
    tpu.enqueue_indirect_dma source(%dma_start3A_13 : memref<1000000xf32, #tpu.memory_space<hbm>>) target(%dma_start3A_9 : memref<128xf32, #tpu.memory_space<vmem>>) offsets(%dma_start3A_11 : memref<128xi32, #tpu.memory_space<vmem>>) semaphore(%arg18 : memref<!tpu.dma_semaphore, #tpu.memory_space<semaphore_mem>>)
    %dma_start3A_14 = arith.constant 128 : i32
    %dma_start3A_15 = tpu.memref_slice %arg14[%dma_start3A_14] : memref<512xf32, #tpu.memory_space<vmem>> -> memref<128xf32, #tpu.memory_space<vmem>>
    %dma_start3A_16 = arith.constant 128 : i32
    %dma_start3A_17 = tpu.memref_slice %arg10[%dma_start3A_16] : memref<512xi32, #tpu.memory_space<vmem>> -> memref<128xi32, #tpu.memory_space<vmem>>
    %dma_start3A_18 = arith.constant 0 : i32
    %dma_start3A_19 = tpu.memref_slice %arg6[%dma_start3A_18] : memref<1000000xf32, #tpu.memory_space<hbm>> -> memref<1000000xf32, #tpu.memory_space<hbm>>
    tpu.enqueue_indirect_dma source(%dma_start3A_19 : memref<1000000xf32, #tpu.memory_space<hbm>>) target(%dma_start3A_15 : memref<128xf32, #tpu.memory_space<vmem>>) offsets(%dma_start3A_17 : memref<128xi32, #tpu.memory_space<vmem>>) semaphore(%arg18 : memref<!tpu.dma_semaphore, #tpu.memory_space<semaphore_mem>>)
    %dma_start3A_20 = arith.constant 128 : i32
    %dma_start3A_21 = tpu.memref_slice %arg15[%dma_start3A_20] : memref<512xf32, #tpu.memory_space<vmem>> -> memref<128xf32, #tpu.memory_space<vmem>>
    %dma_start3A_22 = arith.constant 128 : i32
    %dma_start3A_23 = tpu.memref_slice %arg11[%dma_start3A_22] : memref<512xi32, #tpu.memory_space<vmem>> -> memref<128xi32, #tpu.memory_space<vmem>>
    %dma_start3A_24 = arith.constant 0 : i32
    %dma_start3A_25 = tpu.memref_slice %arg7[%dma_start3A_24] : memref<1000000xf32, #tpu.memory_space<hbm>> -> memref<1000000xf32, #tpu.memory_space<hbm>>
    tpu.enqueue_indirect_dma source(%dma_start3A_25 : memref<1000000xf32, #tpu.memory_space<hbm>>) target(%dma_start3A_21 : memref<128xf32, #tpu.memory_space<vmem>>) offsets(%dma_start3A_23 : memref<128xi32, #tpu.memory_space<vmem>>) semaphore(%arg18 : memref<!tpu.dma_semaphore, #tpu.memory_space<semaphore_mem>>)
    %dma_start3A_26 = arith.constant 256 : i32
    %dma_start3A_27 = tpu.memref_slice %arg14[%dma_start3A_26] : memref<512xf32, #tpu.memory_space<vmem>> -> memref<128xf32, #tpu.memory_space<vmem>>
    %dma_start3A_28 = arith.constant 256 : i32
    %dma_start3A_29 = tpu.memref_slice %arg10[%dma_start3A_28] : memref<512xi32, #tpu.memory_space<vmem>> -> memref<128xi32, #tpu.memory_space<vmem>>
    %dma_start3A_30 = arith.constant 0 : i32
    %dma_start3A_31 = tpu.memref_slice %arg6[%dma_start3A_30] : memref<1000000xf32, #tpu.memory_space<hbm>> -> memref<1000000xf32, #tpu.memory_space<hbm>>
    tpu.enqueue_indirect_dma source(%dma_start3A_31 : memref<1000000xf32, #tpu.memory_space<hbm>>) target(%dma_start3A_27 : memref<128xf32, #tpu.memory_space<vmem>>) offsets(%dma_start3A_29 : memref<128xi32, #tpu.memory_space<vmem>>) semaphore(%arg18 : memref<!tpu.dma_semaphore, #tpu.memory_space<semaphore_mem>>)
    %dma_start3A_32 = arith.constant 256 : i32
    %dma_start3A_33 = tpu.memref_slice %arg15[%dma_start3A_32] : memref<512xf32, #tpu.memory_space<vmem>> -> memref<128xf32, #tpu.memory_space<vmem>>
    %dma_start3A_34 = arith.constant 256 : i32
    %dma_start3A_35 = tpu.memref_slice %arg11[%dma_start3A_34] : memref<512xi32, #tpu.memory_space<vmem>> -> memref<128xi32, #tpu.memory_space<vmem>>
    %dma_start3A_36 = arith.constant 0 : i32
    %dma_start3A_37 = tpu.memref_slice %arg7[%dma_start3A_36] : memref<1000000xf32, #tpu.memory_space<hbm>> -> memref<1000000xf32, #tpu.memory_space<hbm>>
    tpu.enqueue_indirect_dma source(%dma_start3A_37 : memref<1000000xf32, #tpu.memory_space<hbm>>) target(%dma_start3A_33 : memref<128xf32, #tpu.memory_space<vmem>>) offsets(%dma_start3A_35 : memref<128xi32, #tpu.memory_space<vmem>>) semaphore(%arg18 : memref<!tpu.dma_semaphore, #tpu.memory_space<semaphore_mem>>)
    %dma_start3A_38 = arith.constant 384 : i32
    %dma_start3A_39 = tpu.memref_slice %arg14[%dma_start3A_38] : memref<512xf32, #tpu.memory_space<vmem>> -> memref<128xf32, #tpu.memory_space<vmem>>
    %dma_start3A_40 = arith.constant 384 : i32
    %dma_start3A_41 = tpu.memref_slice %arg10[%dma_start3A_40] : memref<512xi32, #tpu.memory_space<vmem>> -> memref<128xi32, #tpu.memory_space<vmem>>
    %dma_start3A_42 = arith.constant 0 : i32
    %dma_start3A_43 = tpu.memref_slice %arg6[%dma_start3A_42] : memref<1000000xf32, #tpu.memory_space<hbm>> -> memref<1000000xf32, #tpu.memory_space<hbm>>
    tpu.enqueue_indirect_dma source(%dma_start3A_43 : memref<1000000xf32, #tpu.memory_space<hbm>>) target(%dma_start3A_39 : memref<128xf32, #tpu.memory_space<vmem>>) offsets(%dma_start3A_41 : memref<128xi32, #tpu.memory_space<vmem>>) semaphore(%arg18 : memref<!tpu.dma_semaphore, #tpu.memory_space<semaphore_mem>>)
    %dma_start3A_44 = arith.constant 384 : i32
    %dma_start3A_45 = tpu.memref_slice %arg15[%dma_start3A_44] : memref<512xf32, #tpu.memory_space<vmem>> -> memref<128xf32, #tpu.memory_space<vmem>>
    %dma_start3A_46 = arith.constant 384 : i32
    %dma_start3A_47 = tpu.memref_slice %arg11[%dma_start3A_46] : memref<512xi32, #tpu.memory_space<vmem>> -> memref<128xi32, #tpu.memory_space<vmem>>
    %dma_start3A_48 = arith.constant 0 : i32
    %dma_start3A_49 = tpu.memref_slice %arg7[%dma_start3A_48] : memref<1000000xf32, #tpu.memory_space<hbm>> -> memref<1000000xf32, #tpu.memory_space<hbm>>
    tpu.enqueue_indirect_dma source(%dma_start3A_49 : memref<1000000xf32, #tpu.memory_space<hbm>>) target(%dma_start3A_45 : memref<128xf32, #tpu.memory_space<vmem>>) offsets(%dma_start3A_47 : memref<128xi32, #tpu.memory_space<vmem>>) semaphore(%arg18 : memref<!tpu.dma_semaphore, #tpu.memory_space<semaphore_mem>>)
    %scan3A = arith.constant 0 : i32
    %scan3A_50 = arith.constant 0 : i32
    %scan3A_51 = arith.constant 64 : i32
    %scan3A_52 = arith.addi %scan3A_50, %scan3A_51 : i32
    %scan3A_53 = arith.constant 1 : i32
    scf.for %scan3A_91 = %scan3A_50 to %scan3A_52 step %scan3A_53  : i32 {
      %mul3A_92 = arith.constant 512 : i32
      %mul3A_93 = arith.muli %scan3A_91, %mul3A_92 : i32
      %multiple_of3A = tpu.assume_multiple %mul3A_93, 512 : i32
      %add3A_94 = arith.constant 0 : i32
      %add3A_95 = arith.addi %multiple_of3A, %add3A_94 : i32
      %dma_start3A_96 = tpu.memref_slice %arg12[%add3A_95] : memref<32768xf32, #tpu.memory_space<vmem>> -> memref<128xf32, #tpu.memory_space<vmem>>
      %dma_start3A_97 = arith.constant 0 : i32
      %dma_start3A_98 = tpu.memref_slice %arg10[%dma_start3A_97] : memref<512xi32, #tpu.memory_space<vmem>> -> memref<128xi32, #tpu.memory_space<vmem>>
      %dma_start3A_99 = arith.constant 0 : i32
      %dma_start3A_100 = tpu.memref_slice %arg4[%scan3A_91, %dma_start3A_99] : memref<64x1000000xf32, #tpu.memory_space<hbm>> -> memref<1x1000000xf32, #tpu.memory_space<hbm>>
      %dma_start3A_101 = tpu.memref_squeeze %dma_start3A_100 : memref<1x1000000xf32, #tpu.memory_space<hbm>> -> memref<1000000xf32, #tpu.memory_space<hbm>>
      %dma_start3A_102 = arith.constant 0 : i32
      %dma_start3A_103 = tpu.memref_slice %dma_start3A_101[%dma_start3A_102] : memref<1000000xf32, #tpu.memory_space<hbm>> -> memref<1000000xf32, #tpu.memory_space<hbm>>
      tpu.enqueue_indirect_dma source(%dma_start3A_103 : memref<1000000xf32, #tpu.memory_space<hbm>>) target(%dma_start3A_96 : memref<128xf32, #tpu.memory_space<vmem>>) offsets(%dma_start3A_98 : memref<128xi32, #tpu.memory_space<vmem>>) semaphore(%arg18 : memref<!tpu.dma_semaphore, #tpu.memory_space<semaphore_mem>>)
      %dma_start3A_104 = tpu.memref_slice %arg13[%add3A_95] : memref<32768xf32, #tpu.memory_space<vmem>> -> memref<128xf32, #tpu.memory_space<vmem>>
      %dma_start3A_105 = arith.constant 0 : i32
      %dma_start3A_106 = tpu.memref_slice %arg11[%dma_start3A_105] : memref<512xi32, #tpu.memory_space<vmem>> -> memref<128xi32, #tpu.memory_space<vmem>>
      %dma_start3A_107 = arith.constant 0 : i32
      %dma_start3A_108 = tpu.memref_slice %arg5[%scan3A_91, %dma_start3A_107] : memref<64x1000000xf32, #tpu.memory_space<hbm>> -> memref<1x1000000xf32, #tpu.memory_space<hbm>>
      %dma_start3A_109 = tpu.memref_squeeze %dma_start3A_108 : memref<1x1000000xf32, #tpu.memory_space<hbm>> -> memref<1000000xf32, #tpu.memory_space<hbm>>
      %dma_start3A_110 = arith.constant 0 : i32
      %dma_start3A_111 = tpu.memref_slice %dma_start3A_109[%dma_start3A_110] : memref<1000000xf32, #tpu.memory_space<hbm>> -> memref<1000000xf32, #tpu.memory_space<hbm>>
      tpu.enqueue_indirect_dma source(%dma_start3A_111 : memref<1000000xf32, #tpu.memory_space<hbm>>) target(%dma_start3A_104 : memref<128xf32, #tpu.memory_space<vmem>>) offsets(%dma_start3A_106 : memref<128xi32, #tpu.memory_space<vmem>>) semaphore(%arg18 : memref<!tpu.dma_semaphore, #tpu.memory_space<semaphore_mem>>)
      %mul3A_112 = arith.constant 512 : i32
      %mul3A_113 = arith.muli %scan3A_91, %mul3A_112 : i32
      %multiple_of3A_114 = tpu.assume_multiple %mul3A_113, 512 : i32
      %add3A_115 = arith.constant 128 : i32
      %add3A_116 = arith.addi %multiple_of3A_114, %add3A_115 : i32
      %dma_start3A_117 = tpu.memref_slice %arg12[%add3A_116] : memref<32768xf32, #tpu.memory_space<vmem>> -> memref<128xf32, #tpu.memory_space<vmem>>
      %dma_start3A_118 = arith.constant 128 : i32
      %dma_start3A_119 = tpu.memref_slice %arg10[%dma_start3A_118] : memref<512xi32, #tpu.memory_space<vmem>> -> memref<128xi32, #tpu.memory_space<vmem>>
      %dma_start3A_120 = arith.constant 0 : i32
      %dma_start3A_121 = tpu.memref_slice %arg4[%scan3A_91, %dma_start3A_120] : memref<64x1000000xf32, #tpu.memory_space<hbm>> -> memref<1x1000000xf32, #tpu.memory_space<hbm>>
      %dma_start3A_122 = tpu.memref_squeeze %dma_start3A_121 : memref<1x1000000xf32, #tpu.memory_space<hbm>> -> memref<1000000xf32, #tpu.memory_space<hbm>>
      %dma_start3A_123 = arith.constant 0 : i32
      %dma_start3A_124 = tpu.memref_slice %dma_start3A_122[%dma_start3A_123] : memref<1000000xf32, #tpu.memory_space<hbm>> -> memref<1000000xf32, #tpu.memory_space<hbm>>
      tpu.enqueue_indirect_dma source(%dma_start3A_124 : memref<1000000xf32, #tpu.memory_space<hbm>>) target(%dma_start3A_117 : memref<128xf32, #tpu.memory_space<vmem>>) offsets(%dma_start3A_119 : memref<128xi32, #tpu.memory_space<vmem>>) semaphore(%arg18 : memref<!tpu.dma_semaphore, #tpu.memory_space<semaphore_mem>>)
      %dma_start3A_125 = tpu.memref_slice %arg13[%add3A_116] : memref<32768xf32, #tpu.memory_space<vmem>> -> memref<128xf32, #tpu.memory_space<vmem>>
      %dma_start3A_126 = arith.constant 128 : i32
      %dma_start3A_127 = tpu.memref_slice %arg11[%dma_start3A_126] : memref<512xi32, #tpu.memory_space<vmem>> -> memref<128xi32, #tpu.memory_space<vmem>>
      %dma_start3A_128 = arith.constant 0 : i32
      %dma_start3A_129 = tpu.memref_slice %arg5[%scan3A_91, %dma_start3A_128] : memref<64x1000000xf32, #tpu.memory_space<hbm>> -> memref<1x1000000xf32, #tpu.memory_space<hbm>>
      %dma_start3A_130 = tpu.memref_squeeze %dma_start3A_129 : memref<1x1000000xf32, #tpu.memory_space<hbm>> -> memref<1000000xf32, #tpu.memory_space<hbm>>
      %dma_start3A_131 = arith.constant 0 : i32
      %dma_start3A_132 = tpu.memref_slice %dma_start3A_130[%dma_start3A_131] : memref<1000000xf32, #tpu.memory_space<hbm>> -> memref<1000000xf32, #tpu.memory_space<hbm>>
      tpu.enqueue_indirect_dma source(%dma_start3A_132 : memref<1000000xf32, #tpu.memory_space<hbm>>) target(%dma_start3A_125 : memref<128xf32, #tpu.memory_space<vmem>>) offsets(%dma_start3A_127 : memref<128xi32, #tpu.memory_space<vmem>>) semaphore(%arg18 : memref<!tpu.dma_semaphore, #tpu.memory_space<semaphore_mem>>)
      %mul3A_133 = arith.constant 512 : i32
      %mul3A_134 = arith.muli %scan3A_91, %mul3A_133 : i32
      %multiple_of3A_135 = tpu.assume_multiple %mul3A_134, 512 : i32
      %add3A_136 = arith.constant 256 : i32
      %add3A_137 = arith.addi %multiple_of3A_135, %add3A_136 : i32
      %dma_start3A_138 = tpu.memref_slice %arg12[%add3A_137] : memref<32768xf32, #tpu.memory_space<vmem>> -> memref<128xf32, #tpu.memory_space<vmem>>
      %dma_start3A_139 = arith.constant 256 : i32
      %dma_start3A_140 = tpu.memref_slice %arg10[%dma_start3A_139] : memref<512xi32, #tpu.memory_space<vmem>> -> memref<128xi32, #tpu.memory_space<vmem>>
      %dma_start3A_141 = arith.constant 0 : i32
      %dma_start3A_142 = tpu.memref_slice %arg4[%scan3A_91, %dma_start3A_141] : memref<64x1000000xf32, #tpu.memory_space<hbm>> -> memref<1x1000000xf32, #tpu.memory_space<hbm>>
      %dma_start3A_143 = tpu.memref_squeeze %dma_start3A_142 : memref<1x1000000xf32, #tpu.memory_space<hbm>> -> memref<1000000xf32, #tpu.memory_space<hbm>>
      %dma_start3A_144 = arith.constant 0 : i32
      %dma_start3A_145 = tpu.memref_slice %dma_start3A_143[%dma_start3A_144] : memref<1000000xf32, #tpu.memory_space<hbm>> -> memref<1000000xf32, #tpu.memory_space<hbm>>
      tpu.enqueue_indirect_dma source(%dma_start3A_145 : memref<1000000xf32, #tpu.memory_space<hbm>>) target(%dma_start3A_138 : memref<128xf32, #tpu.memory_space<vmem>>) offsets(%dma_start3A_140 : memref<128xi32, #tpu.memory_space<vmem>>) semaphore(%arg18 : memref<!tpu.dma_semaphore, #tpu.memory_space<semaphore_mem>>)
      %dma_start3A_146 = tpu.memref_slice %arg13[%add3A_137] : memref<32768xf32, #tpu.memory_space<vmem>> -> memref<128xf32, #tpu.memory_space<vmem>>
      %dma_start3A_147 = arith.constant 256 : i32
      %dma_start3A_148 = tpu.memref_slice %arg11[%dma_start3A_147] : memref<512xi32, #tpu.memory_space<vmem>> -> memref<128xi32, #tpu.memory_space<vmem>>
      %dma_start3A_149 = arith.constant 0 : i32
      %dma_start3A_150 = tpu.memref_slice %arg5[%scan3A_91, %dma_start3A_149] : memref<64x1000000xf32, #tpu.memory_space<hbm>> -> memref<1x1000000xf32, #tpu.memory_space<hbm>>
      %dma_start3A_151 = tpu.memref_squeeze %dma_start3A_150 : memref<1x1000000xf32, #tpu.memory_space<hbm>> -> memref<1000000xf32, #tpu.memory_space<hbm>>
      %dma_start3A_152 = arith.constant 0 : i32
      %dma_start3A_153 = tpu.memref_slice %dma_start3A_151[%dma_start3A_152] : memref<1000000xf32, #tpu.memory_space<hbm>> -> memref<1000000xf32, #tpu.memory_space<hbm>>
      tpu.enqueue_indirect_dma source(%dma_start3A_153 : memref<1000000xf32, #tpu.memory_space<hbm>>) target(%dma_start3A_146 : memref<128xf32, #tpu.memory_space<vmem>>) offsets(%dma_start3A_148 : memref<128xi32, #tpu.memory_space<vmem>>) semaphore(%arg18 : memref<!tpu.dma_semaphore, #tpu.memory_space<semaphore_mem>>)
      %mul3A_154 = arith.constant 512 : i32
      %mul3A_155 = arith.muli %scan3A_91, %mul3A_154 : i32
      %multiple_of3A_156 = tpu.assume_multiple %mul3A_155, 512 : i32
      %add3A_157 = arith.constant 384 : i32
      %add3A_158 = arith.addi %multiple_of3A_156, %add3A_157 : i32
      %dma_start3A_159 = tpu.memref_slice %arg12[%add3A_158] : memref<32768xf32, #tpu.memory_space<vmem>> -> memref<128xf32, #tpu.memory_space<vmem>>
      %dma_start3A_160 = arith.constant 384 : i32
      %dma_start3A_161 = tpu.memref_slice %arg10[%dma_start3A_160] : memref<512xi32, #tpu.memory_space<vmem>> -> memref<128xi32, #tpu.memory_space<vmem>>
      %dma_start3A_162 = arith.constant 0 : i32
      %dma_start3A_163 = tpu.memref_slice %arg4[%scan3A_91, %dma_start3A_162] : memref<64x1000000xf32, #tpu.memory_space<hbm>> -> memref<1x1000000xf32, #tpu.memory_space<hbm>>
      %dma_start3A_164 = tpu.memref_squeeze %dma_start3A_163 : memref<1x1000000xf32, #tpu.memory_space<hbm>> -> memref<1000000xf32, #tpu.memory_space<hbm>>
      %dma_start3A_165 = arith.constant 0 : i32
      %dma_start3A_166 = tpu.memref_slice %dma_start3A_164[%dma_start3A_165] : memref<1000000xf32, #tpu.memory_space<hbm>> -> memref<1000000xf32, #tpu.memory_space<hbm>>
      tpu.enqueue_indirect_dma source(%dma_start3A_166 : memref<1000000xf32, #tpu.memory_space<hbm>>) target(%dma_start3A_159 : memref<128xf32, #tpu.memory_space<vmem>>) offsets(%dma_start3A_161 : memref<128xi32, #tpu.memory_space<vmem>>) semaphore(%arg18 : memref<!tpu.dma_semaphore, #tpu.memory_space<semaphore_mem>>)
      %dma_start3A_167 = tpu.memref_slice %arg13[%add3A_158] : memref<32768xf32, #tpu.memory_space<vmem>> -> memref<128xf32, #tpu.memory_space<vmem>>
      %dma_start3A_168 = arith.constant 384 : i32
      %dma_start3A_169 = tpu.memref_slice %arg11[%dma_start3A_168] : memref<512xi32, #tpu.memory_space<vmem>> -> memref<128xi32, #tpu.memory_space<vmem>>
      %dma_start3A_170 = arith.constant 0 : i32
      %dma_start3A_171 = tpu.memref_slice %arg5[%scan3A_91, %dma_start3A_170] : memref<64x1000000xf32, #tpu.memory_space<hbm>> -> memref<1x1000000xf32, #tpu.memory_space<hbm>>
      %dma_start3A_172 = tpu.memref_squeeze %dma_start3A_171 : memref<1x1000000xf32, #tpu.memory_space<hbm>> -> memref<1000000xf32, #tpu.memory_space<hbm>>
      %dma_start3A_173 = arith.constant 0 : i32
      %dma_start3A_174 = tpu.memref_slice %dma_start3A_172[%dma_start3A_173] : memref<1000000xf32, #tpu.memory_space<hbm>> -> memref<1000000xf32, #tpu.memory_space<hbm>>
      tpu.enqueue_indirect_dma source(%dma_start3A_174 : memref<1000000xf32, #tpu.memory_space<hbm>>) target(%dma_start3A_167 : memref<128xf32, #tpu.memory_space<vmem>>) offsets(%dma_start3A_169 : memref<128xi32, #tpu.memory_space<vmem>>) semaphore(%arg18 : memref<!tpu.dma_semaphore, #tpu.memory_space<semaphore_mem>>)
    }
    %scan3A_54 = arith.constant 64 : i32
    %dma_wait3A = arith.constant 0 : i32
    %dma_wait3A_55 = arith.constant 0 : i32
    %dma_wait3A_56 = tpu.memref_slice %arg4[%dma_wait3A, %dma_wait3A_55] : memref<64x1000000xf32, #tpu.memory_space<hbm>> -> memref<1x1000000xf32, #tpu.memory_space<hbm>>
    %dma_wait3A_57 = tpu.memref_squeeze %dma_wait3A_56 : memref<1x1000000xf32, #tpu.memory_space<hbm>> -> memref<1000000xf32, #tpu.memory_space<hbm>>
    %dma_wait3A_58 = arith.constant 0 : i32
    %dma_wait3A_59 = tpu.memref_slice %dma_wait3A_57[%dma_wait3A_58] : memref<1000000xf32, #tpu.memory_space<hbm>> -> memref<32768xf32, #tpu.memory_space<hbm>>
    %dma_wait3A_60 = arith.constant 0 : i32
    %dma_wait3A_61 = tpu.memref_slice %arg4[%dma_wait3A, %dma_wait3A_60] : memref<64x1000000xf32, #tpu.memory_space<hbm>> -> memref<1x1000000xf32, #tpu.memory_space<hbm>>
    %dma_wait3A_62 = tpu.memref_squeeze %dma_wait3A_61 : memref<1x1000000xf32, #tpu.memory_space<hbm>> -> memref<1000000xf32, #tpu.memory_space<hbm>>
    %dma_wait3A_63 = arith.constant 0 : i32
    %dma_wait3A_64 = tpu.memref_slice %dma_wait3A_62[%dma_wait3A_63] : memref<1000000xf32, #tpu.memory_space<hbm>> -> memref<32768xf32, #tpu.memory_space<hbm>>
    tpu.wait_dma2 semaphore(%arg18 : memref<!tpu.dma_semaphore, #tpu.memory_space<semaphore_mem>>) src(%dma_wait3A_64 : memref<32768xf32, #tpu.memory_space<hbm>>) dst(%arg12 : memref<32768xf32, #tpu.memory_space<vmem>>)
    %dma_wait3A_65 = arith.constant 0 : i32
    %dma_wait3A_66 = arith.constant 0 : i32
    %dma_wait3A_67 = tpu.memref_slice %arg5[%dma_wait3A_65, %dma_wait3A_66] : memref<64x1000000xf32, #tpu.memory_space<hbm>> -> memref<1x1000000xf32, #tpu.memory_space<hbm>>
    %dma_wait3A_68 = tpu.memref_squeeze %dma_wait3A_67 : memref<1x1000000xf32, #tpu.memory_space<hbm>> -> memref<1000000xf32, #tpu.memory_space<hbm>>
    %dma_wait3A_69 = arith.constant 0 : i32
    %dma_wait3A_70 = tpu.memref_slice %dma_wait3A_68[%dma_wait3A_69] : memref<1000000xf32, #tpu.memory_space<hbm>> -> memref<32768xf32, #tpu.memory_space<hbm>>
    %dma_wait3A_71 = arith.constant 0 : i32
    %dma_wait3A_72 = tpu.memref_slice %arg5[%dma_wait3A_65, %dma_wait3A_71] : memref<64x1000000xf32, #tpu.memory_space<hbm>> -> memref<1x1000000xf32, #tpu.memory_space<hbm>>
    %dma_wait3A_73 = tpu.memref_squeeze %dma_wait3A_72 : memref<1x1000000xf32, #tpu.memory_space<hbm>> -> memref<1000000xf32, #tpu.memory_space<hbm>>
    %dma_wait3A_74 = arith.constant 0 : i32
    %dma_wait3A_75 = tpu.memref_slice %dma_wait3A_73[%dma_wait3A_74] : memref<1000000xf32, #tpu.memory_space<hbm>> -> memref<32768xf32, #tpu.memory_space<hbm>>
    tpu.wait_dma2 semaphore(%arg18 : memref<!tpu.dma_semaphore, #tpu.memory_space<semaphore_mem>>) src(%dma_wait3A_75 : memref<32768xf32, #tpu.memory_space<hbm>>) dst(%arg13 : memref<32768xf32, #tpu.memory_space<vmem>>)
    %dma_wait3A_76 = arith.constant 0 : i32
    %dma_wait3A_77 = tpu.memref_slice %arg6[%dma_wait3A_76] : memref<1000000xf32, #tpu.memory_space<hbm>> -> memref<512xf32, #tpu.memory_space<hbm>>
    %dma_wait3A_78 = arith.constant 0 : i32
    %dma_wait3A_79 = tpu.memref_slice %arg6[%dma_wait3A_78] : memref<1000000xf32, #tpu.memory_space<hbm>> -> memref<512xf32, #tpu.memory_space<hbm>>
    tpu.wait_dma2 semaphore(%arg18 : memref<!tpu.dma_semaphore, #tpu.memory_space<semaphore_mem>>) src(%dma_wait3A_79 : memref<512xf32, #tpu.memory_space<hbm>>) dst(%arg14 : memref<512xf32, #tpu.memory_space<vmem>>)
    %dma_wait3A_80 = arith.constant 0 : i32
    %dma_wait3A_81 = tpu.memref_slice %arg7[%dma_wait3A_80] : memref<1000000xf32, #tpu.memory_space<hbm>> -> memref<512xf32, #tpu.memory_space<hbm>>
    %dma_wait3A_82 = arith.constant 0 : i32
    %dma_wait3A_83 = tpu.memref_slice %arg7[%dma_wait3A_82] : memref<1000000xf32, #tpu.memory_space<hbm>> -> memref<512xf32, #tpu.memory_space<hbm>>
    tpu.wait_dma2 semaphore(%arg18 : memref<!tpu.dma_semaphore, #tpu.memory_space<semaphore_mem>>) src(%dma_wait3A_83 : memref<512xf32, #tpu.memory_space<hbm>>) dst(%arg15 : memref<512xf32, #tpu.memory_space<vmem>>)
    %get3A = arith.constant 0 : index
    %get3A_84 = tpu.vector_load %arg16[%get3A] {strides = array<i32>} : memref<16xf32, #tpu.memory_space<vmem>>, vector<16xf32>,
    %scan3A_85 = arith.constant 0 : i32
    %scan3A_86 = arith.constant 0 : i32
    %scan3A_87 = arith.constant 32 : i32
    %scan3A_88 = arith.addi %scan3A_86, %scan3A_87 : i32
    %scan3A_89 = arith.constant 1 : i32
    scf.for %scan3A_91 = %scan3A_86 to %scan3A_88 step %scan3A_89  : i32 {
      %mul3A_92 = arith.constant 16 : i32
      %mul3A_93 = arith.muli %scan3A_91, %mul3A_92 : i32
      %mul3A_94 = arith.constant 16 : i32
      %mul3A_95 = arith.muli %scan3A_91, %mul3A_94 : i32
      %add3A_96 = arith.constant 0 : i32
      %add3A_97 = arith.addi %add3A_96, %mul3A_95 : i32
      %get3A_98 = arith.index_cast %add3A_97 : i32 to index
      %get3A_99 = tpu.vector_load %arg12[%get3A_98] {strides = array<i32>} : memref<32768xf32, #tpu.memory_space<vmem>>, vector<16xf32>,
      %get3A_100 = arith.index_cast %add3A_97 : i32 to index
      %get3A_101 = tpu.vector_load %arg13[%get3A_100] {strides = array<i32>} : memref<32768xf32, #tpu.memory_space<vmem>>, vector<16xf32>,
      %mul3A_102 = arith.mulf %get3A_99, %get3A_101 : vector<16xf32>
      %mul3A_103 = arith.constant 16 : i32
      %mul3A_104 = arith.muli %scan3A_91, %mul3A_103 : i32
      %add3A_105 = arith.constant 512 : i32
      %add3A_106 = arith.addi %add3A_105, %mul3A_104 : i32
      %get3A_107 = arith.index_cast %add3A_106 : i32 to index
      %get3A_108 = tpu.vector_load %arg12[%get3A_107] {strides = array<i32>} : memref<32768xf32, #tpu.memory_space<vmem>>, vector<16xf32>,
      %get3A_109 = arith.index_cast %add3A_106 : i32 to index
      %get3A_110 = tpu.vector_load %arg13[%get3A_109] {strides = array<i32>} : memref<32768xf32, #tpu.memory_space<vmem>>, vector<16xf32>,
      %mul3A_111 = arith.mulf %get3A_108, %get3A_110 : vector<16xf32>
      %mul3A_112 = arith.constant 16 : i32
      %mul3A_113 = arith.muli %scan3A_91, %mul3A_112 : i32
      %add3A_114 = arith.constant 1024 : i32
      %add3A_115 = arith.addi %add3A_114, %mul3A_113 : i32
      %get3A_116 = arith.index_cast %add3A_115 : i32 to index
      %get3A_117 = tpu.vector_load %arg12[%get3A_116] {strides = array<i32>} : memref<32768xf32, #tpu.memory_space<vmem>>, vector<16xf32>,
      %get3A_118 = arith.index_cast %add3A_115 : i32 to index
      %get3A_119 = tpu.vector_load %arg13[%get3A_118] {strides = array<i32>} : memref<32768xf32, #tpu.memory_space<vmem>>, vector<16xf32>,
      %mul3A_120 = arith.mulf %get3A_117, %get3A_119 : vector<16xf32>
      %mul3A_121 = arith.constant 16 : i32
      %mul3A_122 = arith.muli %scan3A_91, %mul3A_121 : i32
      %add3A_123 = arith.constant 1536 : i32
      %add3A_124 = arith.addi %add3A_123, %mul3A_122 : i32
      %get3A_125 = arith.index_cast %add3A_124 : i32 to index
      %get3A_126 = tpu.vector_load %arg12[%get3A_125] {strides = array<i32>} : memref<32768xf32, #tpu.memory_space<vmem>>, vector<16xf32>,
      %get3A_127 = arith.index_cast %add3A_124 : i32 to index
      %get3A_128 = tpu.vector_load %arg13[%get3A_127] {strides = array<i32>} : memref<32768xf32, #tpu.memory_space<vmem>>, vector<16xf32>,
      %mul3A_129 = arith.mulf %get3A_126, %get3A_128 : vector<16xf32>
      %mul3A_130 = arith.constant 16 : i32
      %mul3A_131 = arith.muli %scan3A_91, %mul3A_130 : i32
      %add3A_132 = arith.constant 2048 : i32
      %add3A_133 = arith.addi %add3A_132, %mul3A_131 : i32
      %get3A_134 = arith.index_cast %add3A_133 : i32 to index
      %get3A_135 = tpu.vector_load %arg12[%get3A_134] {strides = array<i32>} : memref<32768xf32, #tpu.memory_space<vmem>>, vector<16xf32>,
      %get3A_136 = arith.index_cast %add3A_133 : i32 to index
      %get3A_137 = tpu.vector_load %arg13[%get3A_136] {strides = array<i32>} : memref<32768xf32, #tpu.memory_space<vmem>>, vector<16xf32>,
      %mul3A_138 = arith.mulf %get3A_135, %get3A_137 : vector<16xf32>
      %add3A_139 = arith.addf %mul3A_102, %mul3A_138 : vector<16xf32>
      %mul3A_140 = arith.constant 16 : i32
      %mul3A_141 = arith.muli %scan3A_91, %mul3A_140 : i32
      %add3A_142 = arith.constant 2560 : i32
      %add3A_143 = arith.addi %add3A_142, %mul3A_141 : i32
      %get3A_144 = arith.index_cast %add3A_143 : i32 to index
      %get3A_145 = tpu.vector_load %arg12[%get3A_144] {strides = array<i32>} : memref<32768xf32, #tpu.memory_space<vmem>>, vector<16xf32>,
      %get3A_146 = arith.index_cast %add3A_143 : i32 to index
      %get3A_147 = tpu.vector_load %arg13[%get3A_146] {strides = array<i32>} : memref<32768xf32, #tpu.memory_space<vmem>>, vector<16xf32>,
      %mul3A_148 = arith.mulf %get3A_145, %get3A_147 : vector<16xf32>
      %add3A_149 = arith.addf %mul3A_111, %mul3A_148 : vector<16xf32>
      %mul3A_150 = arith.constant 16 : i32
      %mul3A_151 = arith.muli %scan3A_91, %mul3A_150 : i32
      %add3A_152 = arith.constant 3072 : i32
      %add3A_153 = arith.addi %add3A_152, %mul3A_151 : i32
      %get3A_154 = arith.index_cast %add3A_153 : i32 to index
      %get3A_155 = tpu.vector_load %arg12[%get3A_154] {strides = array<i32>} : memref<32768xf32, #tpu.memory_space<vmem>>, vector<16xf32>,
      %get3A_156 = arith.index_cast %add3A_153 : i32 to index
      %get3A_157 = tpu.vector_load %arg13[%get3A_156] {strides = array<i32>} : memref<32768xf32, #tpu.memory_space<vmem>>, vector<16xf32>,
      %mul3A_158 = arith.mulf %get3A_155, %get3A_157 : vector<16xf32>
      %add3A_159 = arith.addf %mul3A_120, %mul3A_158 : vector<16xf32>
      %mul3A_160 = arith.constant 16 : i32
      %mul3A_161 = arith.muli %scan3A_91, %mul3A_160 : i32
      %add3A_162 = arith.constant 3584 : i32
      %add3A_163 = arith.addi %add3A_162, %mul3A_161 : i32
      %get3A_164 = arith.index_cast %add3A_163 : i32 to index
      %get3A_165 = tpu.vector_load %arg12[%get3A_164] {strides = array<i32>} : memref<32768xf32, #tpu.memory_space<vmem>>, vector<16xf32>,
      %get3A_166 = arith.index_cast %add3A_163 : i32 to index
      %get3A_167 = tpu.vector_load %arg13[%get3A_166] {strides = array<i32>} : memref<32768xf32, #tpu.memory_space<vmem>>, vector<16xf32>,
      %mul3A_168 = arith.mulf %get3A_165, %get3A_167 : vector<16xf32>
      %add3A_169 = arith.addf %mul3A_129, %mul3A_168 : vector<16xf32>
      %mul3A_170 = arith.constant 16 : i32
      %mul3A_171 = arith.muli %scan3A_91, %mul3A_170 : i32
      %add3A_172 = arith.constant 4096 : i32
      %add3A_173 = arith.addi %add3A_172, %mul3A_171 : i32
      %get3A_174 = arith.index_cast %add3A_173 : i32 to index
      %get3A_175 = tpu.vector_load %arg12[%get3A_174] {strides = array<i32>} : memref<32768xf32, #tpu.memory_space<vmem>>, vector<16xf32>,
      %get3A_176 = arith.index_cast %add3A_173 : i32 to index
      %get3A_177 = tpu.vector_load %arg13[%get3A_176] {strides = array<i32>} : memref<32768xf32, #tpu.memory_space<vmem>>, vector<16xf32>,
      %mul3A_178 = arith.mulf %get3A_175, %get3A_177 : vector<16xf32>
      %add3A_179 = arith.addf %add3A_139, %mul3A_178 : vector<16xf32>
      %mul3A_180 = arith.constant 16 : i32
      %mul3A_181 = arith.muli %scan3A_91, %mul3A_180 : i32
      %add3A_182 = arith.constant 4608 : i32
      %add3A_183 = arith.addi %add3A_182, %mul3A_181 : i32
      %get3A_184 = arith.index_cast %add3A_183 : i32 to index
      %get3A_185 = tpu.vector_load %arg12[%get3A_184] {strides = array<i32>} : memref<32768xf32, #tpu.memory_space<vmem>>, vector<16xf32>,
      %get3A_186 = arith.index_cast %add3A_183 : i32 to index
      %get3A_187 = tpu.vector_load %arg13[%get3A_186] {strides = array<i32>} : memref<32768xf32, #tpu.memory_space<vmem>>, vector<16xf32>,
      %mul3A_188 = arith.mulf %get3A_185, %get3A_187 : vector<16xf32>
      %add3A_189 = arith.addf %add3A_149, %mul3A_188 : vector<16xf32>
      %mul3A_190 = arith.constant 16 : i32
      %mul3A_191 = arith.muli %scan3A_91, %mul3A_190 : i32
      %add3A_192 = arith.constant 5120 : i32
      %add3A_193 = arith.addi %add3A_192, %mul3A_191 : i32
      %get3A_194 = arith.index_cast %add3A_193 : i32 to index
      %get3A_195 = tpu.vector_load %arg12[%get3A_194] {strides = array<i32>} : memref<32768xf32, #tpu.memory_space<vmem>>, vector<16xf32>,
      %get3A_196 = arith.index_cast %add3A_193 : i32 to index
      %get3A_197 = tpu.vector_load %arg13[%get3A_196] {strides = array<i32>} : memref<32768xf32, #tpu.memory_space<vmem>>, vector<16xf32>,
      %mul3A_198 = arith.mulf %get3A_195, %get3A_197 : vector<16xf32>
      %add3A_199 = arith.addf %add3A_159, %mul3A_198 : vector<16xf32>
      %mul3A_200 = arith.constant 16 : i32
      %mul3A_201 = arith.muli %scan3A_91, %mul3A_200 : i32
      %add3A_202 = arith.constant 5632 : i32
      %add3A_203 = arith.addi %add3A_202, %mul3A_201 : i32
      %get3A_204 = arith.index_cast %add3A_203 : i32 to index
      %get3A_205 = tpu.vector_load %arg12[%get3A_204] {strides = array<i32>} : memref<32768xf32, #tpu.memory_space<vmem>>, vector<16xf32>,
      %get3A_206 = arith.index_cast %add3A_203 : i32 to index
      %get3A_207 = tpu.vector_load %arg13[%get3A_206] {strides = array<i32>} : memref<32768xf32, #tpu.memory_space<vmem>>, vector<16xf32>,
      %mul3A_208 = arith.mulf %get3A_205, %get3A_207 : vector<16xf32>
      %add3A_209 = arith.addf %add3A_169, %mul3A_208 : vector<16xf32>
      %mul3A_210 = arith.constant 16 : i32
      %mul3A_211 = arith.muli %scan3A_91, %mul3A_210 : i32
      %add3A_212 = arith.constant 6144 : i32
      %add3A_213 = arith.addi %add3A_212, %mul3A_211 : i32
      %get3A_214 = arith.index_cast %add3A_213 : i32 to index
      %get3A_215 = tpu.vector_load %arg12[%get3A_214] {strides = array<i32>} : memref<32768xf32, #tpu.memory_space<vmem>>, vector<16xf32>,
      %get3A_216 = arith.index_cast %add3A_213 : i32 to index
      %get3A_217 = tpu.vector_load %arg13[%get3A_216] {strides = array<i32>} : memref<32768xf32, #tpu.memory_space<vmem>>, vector<16xf32>,
      %mul3A_218 = arith.mulf %get3A_215, %get3A_217 : vector<16xf32>
      %add3A_219 = arith.addf %add3A_179, %mul3A_218 : vector<16xf32>
      %mul3A_220 = arith.constant 16 : i32
      %mul3A_221 = arith.muli %scan3A_91, %mul3A_220 : i32
      %add3A_222 = arith.constant 6656 : i32
      %add3A_223 = arith.addi %add3A_222, %mul3A_221 : i32
      %get3A_224 = arith.index_cast %add3A_223 : i32 to index
      %get3A_225 = tpu.vector_load %arg12[%get3A_224] {strides = array<i32>} : memref<32768xf32, #tpu.memory_space<vmem>>, vector<16xf32>,
      %get3A_226 = arith.index_cast %add3A_223 : i32 to index
      %get3A_227 = tpu.vector_load %arg13[%get3A_226] {strides = array<i32>} : memref<32768xf32, #tpu.memory_space<vmem>>, vector<16xf32>,
      %mul3A_228 = arith.mulf %get3A_225, %get3A_227 : vector<16xf32>
      %add3A_229 = arith.addf %add3A_189, %mul3A_228 : vector<16xf32>
      %mul3A_230 = arith.constant 16 : i32
      %mul3A_231 = arith.muli %scan3A_91, %mul3A_230 : i32
      %add3A_232 = arith.constant 7168 : i32
      %add3A_233 = arith.addi %add3A_232, %mul3A_231 : i32
      %get3A_234 = arith.index_cast %add3A_233 : i32 to index
      %get3A_235 = tpu.vector_load %arg12[%get3A_234] {strides = array<i32>} : memref<32768xf32, #tpu.memory_space<vmem>>, vector<16xf32>,
      %get3A_236 = arith.index_cast %add3A_233 : i32 to index
      %get3A_237 = tpu.vector_load %arg13[%get3A_236] {strides = array<i32>} : memref<32768xf32, #tpu.memory_space<vmem>>, vector<16xf32>,
      %mul3A_238 = arith.mulf %get3A_235, %get3A_237 : vector<16xf32>
      %add3A_239 = arith.addf %add3A_199, %mul3A_238 : vector<16xf32>
      %mul3A_240 = arith.constant 16 : i32
      %mul3A_241 = arith.muli %scan3A_91, %mul3A_240 : i32
      %add3A_242 = arith.constant 7680 : i32
      %add3A_243 = arith.addi %add3A_242, %mul3A_241 : i32
      %get3A_244 = arith.index_cast %add3A_243 : i32 to index
      %get3A_245 = tpu.vector_load %arg12[%get3A_244] {strides = array<i32>} : memref<32768xf32, #tpu.memory_space<vmem>>, vector<16xf32>,
      %get3A_246 = arith.index_cast %add3A_243 : i32 to index
      %get3A_247 = tpu.vector_load %arg13[%get3A_246] {strides = array<i32>} : memref<32768xf32, #tpu.memory_space<vmem>>, vector<16xf32>,
      %mul3A_248 = arith.mulf %get3A_245, %get3A_247 : vector<16xf32>
      %add3A_249 = arith.addf %add3A_209, %mul3A_248 : vector<16xf32>
      %mul3A_250 = arith.constant 16 : i32
      %mul3A_251 = arith.muli %scan3A_91, %mul3A_250 : i32
      %add3A_252 = arith.constant 8192 : i32
      %add3A_253 = arith.addi %add3A_252, %mul3A_251 : i32
      %get3A_254 = arith.index_cast %add3A_253 : i32 to index
      %get3A_255 = tpu.vector_load %arg12[%get3A_254] {strides = array<i32>} : memref<32768xf32, #tpu.memory_space<vmem>>, vector<16xf32>,
      %get3A_256 = arith.index_cast %add3A_253 : i32 to index
      %get3A_257 = tpu.vector_load %arg13[%get3A_256] {strides = array<i32>} : memref<32768xf32, #tpu.memory_space<vmem>>, vector<16xf32>,
      %mul3A_258 = arith.mulf %get3A_255, %get3A_257 : vector<16xf32>
      %add3A_259 = arith.addf %add3A_219, %mul3A_258 : vector<16xf32>
      %mul3A_260 = arith.constant 16 : i32
      %mul3A_261 = arith.muli %scan3A_91, %mul3A_260 : i32
      %add3A_262 = arith.constant 8704 : i32
      %add3A_263 = arith.addi %add3A_262, %mul3A_261 : i32
      %get3A_264 = arith.index_cast %add3A_263 : i32 to index
      %get3A_265 = tpu.vector_load %arg12[%get3A_264] {strides = array<i32>} : memref<32768xf32, #tpu.memory_space<vmem>>, vector<16xf32>,
      %get3A_266 = arith.index_cast %add3A_263 : i32 to index
      %get3A_267 = tpu.vector_load %arg13[%get3A_266] {strides = array<i32>} : memref<32768xf32, #tpu.memory_space<vmem>>, vector<16xf32>,
      %mul3A_268 = arith.mulf %get3A_265, %get3A_267 : vector<16xf32>
      %add3A_269 = arith.addf %add3A_229, %mul3A_268 : vector<16xf32>
      %mul3A_270 = arith.constant 16 : i32
      %mul3A_271 = arith.muli %scan3A_91, %mul3A_270 : i32
      %add3A_272 = arith.constant 9216 : i32
      %add3A_273 = arith.addi %add3A_272, %mul3A_271 : i32
      %get3A_274 = arith.index_cast %add3A_273 : i32 to index
      %get3A_275 = tpu.vector_load %arg12[%get3A_274] {strides = array<i32>} : memref<32768xf32, #tpu.memory_space<vmem>>, vector<16xf32>,
      %get3A_276 = arith.index_cast %add3A_273 : i32 to index
      %get3A_277 = tpu.vector_load %arg13[%get3A_276] {strides = array<i32>} : memref<32768xf32, #tpu.memory_space<vmem>>, vector<16xf32>,
      %mul3A_278 = arith.mulf %get3A_275, %get3A_277 : vector<16xf32>
      %add3A_279 = arith.addf %add3A_239, %mul3A_278 : vector<16xf32>
      %mul3A_280 = arith.constant 16 : i32
      %mul3A_281 = arith.muli %scan3A_91, %mul3A_280 : i32
      %add3A_282 = arith.constant 9728 : i32
      %add3A_283 = arith.addi %add3A_282, %mul3A_281 : i32
      %get3A_284 = arith.index_cast %add3A_283 : i32 to index
      %get3A_285 = tpu.vector_load %arg12[%get3A_284] {strides = array<i32>} : memref<32768xf32, #tpu.memory_space<vmem>>, vector<16xf32>,
      %get3A_286 = arith.index_cast %add3A_283 : i32 to index
      %get3A_287 = tpu.vector_load %arg13[%get3A_286] {strides = array<i32>} : memref<32768xf32, #tpu.memory_space<vmem>>, vector<16xf32>,
      %mul3A_288 = arith.mulf %get3A_285, %get3A_287 : vector<16xf32>
      %add3A_289 = arith.addf %add3A_249, %mul3A_288 : vector<16xf32>
      %mul3A_290 = arith.constant 16 : i32
      %mul3A_291 = arith.muli %scan3A_91, %mul3A_290 : i32
      %add3A_292 = arith.constant 10240 : i32
      %add3A_293 = arith.addi %add3A_292, %mul3A_291 : i32
      %get3A_294 = arith.index_cast %add3A_293 : i32 to index
      %get3A_295 = tpu.vector_load %arg12[%get3A_294] {strides = array<i32>} : memref<32768xf32, #tpu.memory_space<vmem>>, vector<16xf32>,
      %get3A_296 = arith.index_cast %add3A_293 : i32 to index
      %get3A_297 = tpu.vector_load %arg13[%get3A_296] {strides = array<i32>} : memref<32768xf32, #tpu.memory_space<vmem>>, vector<16xf32>,
      %mul3A_298 = arith.mulf %get3A_295, %get3A_297 : vector<16xf32>
      %add3A_299 = arith.addf %add3A_259, %mul3A_298 : vector<16xf32>
      %mul3A_300 = arith.constant 16 : i32
      %mul3A_301 = arith.muli %scan3A_91, %mul3A_300 : i32
      %add3A_302 = arith.constant 10752 : i32
      %add3A_303 = arith.addi %add3A_302, %mul3A_301 : i32
      %get3A_304 = arith.index_cast %add3A_303 : i32 to index
      %get3A_305 = tpu.vector_load %arg12[%get3A_304] {strides = array<i32>} : memref<32768xf32, #tpu.memory_space<vmem>>, vector<16xf32>,
      %get3A_306 = arith.index_cast %add3A_303 : i32 to index
      %get3A_307 = tpu.vector_load %arg13[%get3A_306] {strides = array<i32>} : memref<32768xf32, #tpu.memory_space<vmem>>, vector<16xf32>,
      %mul3A_308 = arith.mulf %get3A_305, %get3A_307 : vector<16xf32>
      %add3A_309 = arith.addf %add3A_269, %mul3A_308 : vector<16xf32>
      %mul3A_310 = arith.constant 16 : i32
      %mul3A_311 = arith.muli %scan3A_91, %mul3A_310 : i32
      %add3A_312 = arith.constant 11264 : i32
      %add3A_313 = arith.addi %add3A_312, %mul3A_311 : i32
      %get3A_314 = arith.index_cast %add3A_313 : i32 to index
      %get3A_315 = tpu.vector_load %arg12[%get3A_314] {strides = array<i32>} : memref<32768xf32, #tpu.memory_space<vmem>>, vector<16xf32>,
      %get3A_316 = arith.index_cast %add3A_313 : i32 to index
      %get3A_317 = tpu.vector_load %arg13[%get3A_316] {strides = array<i32>} : memref<32768xf32, #tpu.memory_space<vmem>>, vector<16xf32>,
      %mul3A_318 = arith.mulf %get3A_315, %get3A_317 : vector<16xf32>
      %add3A_319 = arith.addf %add3A_279, %mul3A_318 : vector<16xf32>
      %mul3A_320 = arith.constant 16 : i32
      %mul3A_321 = arith.muli %scan3A_91, %mul3A_320 : i32
      %add3A_322 = arith.constant 11776 : i32
      %add3A_323 = arith.addi %add3A_322, %mul3A_321 : i32
      %get3A_324 = arith.index_cast %add3A_323 : i32 to index
      %get3A_325 = tpu.vector_load %arg12[%get3A_324] {strides = array<i32>} : memref<32768xf32, #tpu.memory_space<vmem>>, vector<16xf32>,
      %get3A_326 = arith.index_cast %add3A_323 : i32 to index
      %get3A_327 = tpu.vector_load %arg13[%get3A_326] {strides = array<i32>} : memref<32768xf32, #tpu.memory_space<vmem>>, vector<16xf32>,
      %mul3A_328 = arith.mulf %get3A_325, %get3A_327 : vector<16xf32>
      %add3A_329 = arith.addf %add3A_289, %mul3A_328 : vector<16xf32>
      %mul3A_330 = arith.constant 16 : i32
      %mul3A_331 = arith.muli %scan3A_91, %mul3A_330 : i32
      %add3A_332 = arith.constant 12288 : i32
      %add3A_333 = arith.addi %add3A_332, %mul3A_331 : i32
      %get3A_334 = arith.index_cast %add3A_333 : i32 to index
      %get3A_335 = tpu.vector_load %arg12[%get3A_334] {strides = array<i32>} : memref<32768xf32, #tpu.memory_space<vmem>>, vector<16xf32>,
      %get3A_336 = arith.index_cast %add3A_333 : i32 to index
      %get3A_337 = tpu.vector_load %arg13[%get3A_336] {strides = array<i32>} : memref<32768xf32, #tpu.memory_space<vmem>>, vector<16xf32>,
      %mul3A_338 = arith.mulf %get3A_335, %get3A_337 : vector<16xf32>
      %add3A_339 = arith.addf %add3A_299, %mul3A_338 : vector<16xf32>
      %mul3A_340 = arith.constant 16 : i32
      %mul3A_341 = arith.muli %scan3A_91, %mul3A_340 : i32
      %add3A_342 = arith.constant 12800 : i32
      %add3A_343 = arith.addi %add3A_342, %mul3A_341 : i32
      %get3A_344 = arith.index_cast %add3A_343 : i32 to index
      %get3A_345 = tpu.vector_load %arg12[%get3A_344] {strides = array<i32>} : memref<32768xf32, #tpu.memory_space<vmem>>, vector<16xf32>,
      %get3A_346 = arith.index_cast %add3A_343 : i32 to index
      %get3A_347 = tpu.vector_load %arg13[%get3A_346] {strides = array<i32>} : memref<32768xf32, #tpu.memory_space<vmem>>, vector<16xf32>,
      %mul3A_348 = arith.mulf %get3A_345, %get3A_347 : vector<16xf32>
      %add3A_349 = arith.addf %add3A_309, %mul3A_348 : vector<16xf32>
      %mul3A_350 = arith.constant 16 : i32
      %mul3A_351 = arith.muli %scan3A_91, %mul3A_350 : i32
      %add3A_352 = arith.constant 13312 : i32
      %add3A_353 = arith.addi %add3A_352, %mul3A_351 : i32
      %get3A_354 = arith.index_cast %add3A_353 : i32 to index
      %get3A_355 = tpu.vector_load %arg12[%get3A_354] {strides = array<i32>} : memref<32768xf32, #tpu.memory_space<vmem>>, vector<16xf32>,
      %get3A_356 = arith.index_cast %add3A_353 : i32 to index
      %get3A_357 = tpu.vector_load %arg13[%get3A_356] {strides = array<i32>} : memref<32768xf32, #tpu.memory_space<vmem>>, vector<16xf32>,
      %mul3A_358 = arith.mulf %get3A_355, %get3A_357 : vector<16xf32>
      %add3A_359 = arith.addf %add3A_319, %mul3A_358 : vector<16xf32>
      %mul3A_360 = arith.constant 16 : i32
      %mul3A_361 = arith.muli %scan3A_91, %mul3A_360 : i32
      %add3A_362 = arith.constant 13824 : i32
      %add3A_363 = arith.addi %add3A_362, %mul3A_361 : i32
      %get3A_364 = arith.index_cast %add3A_363 : i32 to index
      %get3A_365 = tpu.vector_load %arg12[%get3A_364] {strides = array<i32>} : memref<32768xf32, #tpu.memory_space<vmem>>, vector<16xf32>,
      %get3A_366 = arith.index_cast %add3A_363 : i32 to index
      %get3A_367 = tpu.vector_load %arg13[%get3A_366] {strides = array<i32>} : memref<32768xf32, #tpu.memory_space<vmem>>, vector<16xf32>,
      %mul3A_368 = arith.mulf %get3A_365, %get3A_367 : vector<16xf32>
      %add3A_369 = arith.addf %add3A_329, %mul3A_368 : vector<16xf32>
      %mul3A_370 = arith.constant 16 : i32
      %mul3A_371 = arith.muli %scan3A_91, %mul3A_370 : i32
      %add3A_372 = arith.constant 14336 : i32
      %add3A_373 = arith.addi %add3A_372, %mul3A_371 : i32
      %get3A_374 = arith.index_cast %add3A_373 : i32 to index
      %get3A_375 = tpu.vector_load %arg12[%get3A_374] {strides = array<i32>} : memref<32768xf32, #tpu.memory_space<vmem>>, vector<16xf32>,
      %get3A_376 = arith.index_cast %add3A_373 : i32 to index
      %get3A_377 = tpu.vector_load %arg13[%get3A_376] {strides = array<i32>} : memref<32768xf32, #tpu.memory_space<vmem>>, vector<16xf32>,
      %mul3A_378 = arith.mulf %get3A_375, %get3A_377 : vector<16xf32>
      %add3A_379 = arith.addf %add3A_339, %mul3A_378 : vector<16xf32>
      %mul3A_380 = arith.constant 16 : i32
      %mul3A_381 = arith.muli %scan3A_91, %mul3A_380 : i32
      %add3A_382 = arith.constant 14848 : i32
      %add3A_383 = arith.addi %add3A_382, %mul3A_381 : i32
      %get3A_384 = arith.index_cast %add3A_383 : i32 to index
      %get3A_385 = tpu.vector_load %arg12[%get3A_384] {strides = array<i32>} : memref<32768xf32, #tpu.memory_space<vmem>>, vector<16xf32>,
      %get3A_386 = arith.index_cast %add3A_383 : i32 to index
      %get3A_387 = tpu.vector_load %arg13[%get3A_386] {strides = array<i32>} : memref<32768xf32, #tpu.memory_space<vmem>>, vector<16xf32>,
      %mul3A_388 = arith.mulf %get3A_385, %get3A_387 : vector<16xf32>
      %add3A_389 = arith.addf %add3A_349, %mul3A_388 : vector<16xf32>
      %mul3A_390 = arith.constant 16 : i32
      %mul3A_391 = arith.muli %scan3A_91, %mul3A_390 : i32
      %add3A_392 = arith.constant 15360 : i32
      %add3A_393 = arith.addi %add3A_392, %mul3A_391 : i32
      %get3A_394 = arith.index_cast %add3A_393 : i32 to index
      %get3A_395 = tpu.vector_load %arg12[%get3A_394] {strides = array<i32>} : memref<32768xf32, #tpu.memory_space<vmem>>, vector<16xf32>,
      %get3A_396 = arith.index_cast %add3A_393 : i32 to index
      %get3A_397 = tpu.vector_load %arg13[%get3A_396] {strides = array<i32>} : memref<32768xf32, #tpu.memory_space<vmem>>, vector<16xf32>,
      %mul3A_398 = arith.mulf %get3A_395, %get3A_397 : vector<16xf32>
      %add3A_399 = arith.addf %add3A_359, %mul3A_398 : vector<16xf32>
      %mul3A_400 = arith.constant 16 : i32
      %mul3A_401 = arith.muli %scan3A_91, %mul3A_400 : i32
      %add3A_402 = arith.constant 15872 : i32
      %add3A_403 = arith.addi %add3A_402, %mul3A_401 : i32
      %get3A_404 = arith.index_cast %add3A_403 : i32 to index
      %get3A_405 = tpu.vector_load %arg12[%get3A_404] {strides = array<i32>} : memref<32768xf32, #tpu.memory_space<vmem>>, vector<16xf32>,
      %get3A_406 = arith.index_cast %add3A_403 : i32 to index
      %get3A_407 = tpu.vector_load %arg13[%get3A_406] {strides = array<i32>} : memref<32768xf32, #tpu.memory_space<vmem>>, vector<16xf32>,
      %mul3A_408 = arith.mulf %get3A_405, %get3A_407 : vector<16xf32>
      %add3A_409 = arith.addf %add3A_369, %mul3A_408 : vector<16xf32>
      %mul3A_410 = arith.constant 16 : i32
      %mul3A_411 = arith.muli %scan3A_91, %mul3A_410 : i32
      %add3A_412 = arith.constant 16384 : i32
      %add3A_413 = arith.addi %add3A_412, %mul3A_411 : i32
      %get3A_414 = arith.index_cast %add3A_413 : i32 to index
      %get3A_415 = tpu.vector_load %arg12[%get3A_414] {strides = array<i32>} : memref<32768xf32, #tpu.memory_space<vmem>>, vector<16xf32>,
      %get3A_416 = arith.index_cast %add3A_413 : i32 to index
      %get3A_417 = tpu.vector_load %arg13[%get3A_416] {strides = array<i32>} : memref<32768xf32, #tpu.memory_space<vmem>>, vector<16xf32>,
      %mul3A_418 = arith.mulf %get3A_415, %get3A_417 : vector<16xf32>
      %add3A_419 = arith.addf %add3A_379, %mul3A_418 : vector<16xf32>
      %mul3A_420 = arith.constant 16 : i32
      %mul3A_421 = arith.muli %scan3A_91, %mul3A_420 : i32
      %add3A_422 = arith.constant 16896 : i32
      %add3A_423 = arith.addi %add3A_422, %mul3A_421 : i32
      %get3A_424 = arith.index_cast %add3A_423 : i32 to index
      %get3A_425 = tpu.vector_load %arg12[%get3A_424] {strides = array<i32>} : memref<32768xf32, #tpu.memory_space<vmem>>, vector<16xf32>,
      %get3A_426 = arith.index_cast %add3A_423 : i32 to index
      %get3A_427 = tpu.vector_load %arg13[%get3A_426] {strides = array<i32>} : memref<32768xf32, #tpu.memory_space<vmem>>, vector<16xf32>,
      %mul3A_428 = arith.mulf %get3A_425, %get3A_427 : vector<16xf32>
      %add3A_429 = arith.addf %add3A_389, %mul3A_428 : vector<16xf32>
      %mul3A_430 = arith.constant 16 : i32
      %mul3A_431 = arith.muli %scan3A_91, %mul3A_430 : i32
      %add3A_432 = arith.constant 17408 : i32
      %add3A_433 = arith.addi %add3A_432, %mul3A_431 : i32
      %get3A_434 = arith.index_cast %add3A_433 : i32 to index
      %get3A_435 = tpu.vector_load %arg12[%get3A_434] {strides = array<i32>} : memref<32768xf32, #tpu.memory_space<vmem>>, vector<16xf32>,
      %get3A_436 = arith.index_cast %add3A_433 : i32 to index
      %get3A_437 = tpu.vector_load %arg13[%get3A_436] {strides = array<i32>} : memref<32768xf32, #tpu.memory_space<vmem>>, vector<16xf32>,
      %mul3A_438 = arith.mulf %get3A_435, %get3A_437 : vector<16xf32>
      %add3A_439 = arith.addf %add3A_399, %mul3A_438 : vector<16xf32>
      %mul3A_440 = arith.constant 16 : i32
      %mul3A_441 = arith.muli %scan3A_91, %mul3A_440 : i32
      %add3A_442 = arith.constant 17920 : i32
      %add3A_443 = arith.addi %add3A_442, %mul3A_441 : i32
      %get3A_444 = arith.index_cast %add3A_443 : i32 to index
      %get3A_445 = tpu.vector_load %arg12[%get3A_444] {strides = array<i32>} : memref<32768xf32, #tpu.memory_space<vmem>>, vector<16xf32>,
      %get3A_446 = arith.index_cast %add3A_443 : i32 to index
      %get3A_447 = tpu.vector_load %arg13[%get3A_446] {strides = array<i32>} : memref<32768xf32, #tpu.memory_space<vmem>>, vector<16xf32>,
      %mul3A_448 = arith.mulf %get3A_445, %get3A_447 : vector<16xf32>
      %add3A_449 = arith.addf %add3A_409, %mul3A_448 : vector<16xf32>
      %mul3A_450 = arith.constant 16 : i32
      %mul3A_451 = arith.muli %scan3A_91, %mul3A_450 : i32
      %add3A_452 = arith.constant 18432 : i32
      %add3A_453 = arith.addi %add3A_452, %mul3A_451 : i32
      %get3A_454 = arith.index_cast %add3A_453 : i32 to index
      %get3A_455 = tpu.vector_load %arg12[%get3A_454] {strides = array<i32>} : memref<32768xf32, #tpu.memory_space<vmem>>, vector<16xf32>,
      %get3A_456 = arith.index_cast %add3A_453 : i32 to index
      %get3A_457 = tpu.vector_load %arg13[%get3A_456] {strides = array<i32>} : memref<32768xf32, #tpu.memory_space<vmem>>, vector<16xf32>,
      %mul3A_458 = arith.mulf %get3A_455, %get3A_457 : vector<16xf32>
      %add3A_459 = arith.addf %add3A_419, %mul3A_458 : vector<16xf32>
      %mul3A_460 = arith.constant 16 : i32
      %mul3A_461 = arith.muli %scan3A_91, %mul3A_460 : i32
      %add3A_462 = arith.constant 18944 : i32
      %add3A_463 = arith.addi %add3A_462, %mul3A_461 : i32
      %get3A_464 = arith.index_cast %add3A_463 : i32 to index
      %get3A_465 = tpu.vector_load %arg12[%get3A_464] {strides = array<i32>} : memref<32768xf32, #tpu.memory_space<vmem>>, vector<16xf32>,
      %get3A_466 = arith.index_cast %add3A_463 : i32 to index
      %get3A_467 = tpu.vector_load %arg13[%get3A_466] {strides = array<i32>} : memref<32768xf32, #tpu.memory_space<vmem>>, vector<16xf32>,
      %mul3A_468 = arith.mulf %get3A_465, %get3A_467 : vector<16xf32>
      %add3A_469 = arith.addf %add3A_429, %mul3A_468 : vector<16xf32>
      %mul3A_470 = arith.constant 16 : i32
      %mul3A_471 = arith.muli %scan3A_91, %mul3A_470 : i32
      %add3A_472 = arith.constant 19456 : i32
      %add3A_473 = arith.addi %add3A_472, %mul3A_471 : i32
      %get3A_474 = arith.index_cast %add3A_473 : i32 to index
      %get3A_475 = tpu.vector_load %arg12[%get3A_474] {strides = array<i32>} : memref<32768xf32, #tpu.memory_space<vmem>>, vector<16xf32>,
      %get3A_476 = arith.index_cast %add3A_473 : i32 to index
      %get3A_477 = tpu.vector_load %arg13[%get3A_476] {strides = array<i32>} : memref<32768xf32, #tpu.memory_space<vmem>>, vector<16xf32>,
      %mul3A_478 = arith.mulf %get3A_475, %get3A_477 : vector<16xf32>
      %add3A_479 = arith.addf %add3A_439, %mul3A_478 : vector<16xf32>
      %mul3A_480 = arith.constant 16 : i32
      %mul3A_481 = arith.muli %scan3A_91, %mul3A_480 : i32
      %add3A_482 = arith.constant 19968 : i32
      %add3A_483 = arith.addi %add3A_482, %mul3A_481 : i32
      %get3A_484 = arith.index_cast %add3A_483 : i32 to index
      %get3A_485 = tpu.vector_load %arg12[%get3A_484] {strides = array<i32>} : memref<32768xf32, #tpu.memory_space<vmem>>, vector<16xf32>,
      %get3A_486 = arith.index_cast %add3A_483 : i32 to index
      %get3A_487 = tpu.vector_load %arg13[%get3A_486] {strides = array<i32>} : memref<32768xf32, #tpu.memory_space<vmem>>, vector<16xf32>,
      %mul3A_488 = arith.mulf %get3A_485, %get3A_487 : vector<16xf32>
      %add3A_489 = arith.addf %add3A_449, %mul3A_488 : vector<16xf32>
      %mul3A_490 = arith.constant 16 : i32
      %mul3A_491 = arith.muli %scan3A_91, %mul3A_490 : i32
      %add3A_492 = arith.constant 20480 : i32
      %add3A_493 = arith.addi %add3A_492, %mul3A_491 : i32
      %get3A_494 = arith.index_cast %add3A_493 : i32 to index
      %get3A_495 = tpu.vector_load %arg12[%get3A_494] {strides = array<i32>} : memref<32768xf32, #tpu.memory_space<vmem>>, vector<16xf32>,
      %get3A_496 = arith.index_cast %add3A_493 : i32 to index
      %get3A_497 = tpu.vector_load %arg13[%get3A_496] {strides = array<i32>} : memref<32768xf32, #tpu.memory_space<vmem>>, vector<16xf32>,
      %mul3A_498 = arith.mulf %get3A_495, %get3A_497 : vector<16xf32>
      %add3A_499 = arith.addf %add3A_459, %mul3A_498 : vector<16xf32>
      %mul3A_500 = arith.constant 16 : i32
      %mul3A_501 = arith.muli %scan3A_91, %mul3A_500 : i32
      %add3A_502 = arith.constant 20992 : i32
      %add3A_503 = arith.addi %add3A_502, %mul3A_501 : i32
      %get3A_504 = arith.index_cast %add3A_503 : i32 to index
      %get3A_505 = tpu.vector_load %arg12[%get3A_504] {strides = array<i32>} : memref<32768xf32, #tpu.memory_space<vmem>>, vector<16xf32>,
      %get3A_506 = arith.index_cast %add3A_503 : i32 to index
      %get3A_507 = tpu.vector_load %arg13[%get3A_506] {strides = array<i32>} : memref<32768xf32, #tpu.memory_space<vmem>>, vector<16xf32>,
      %mul3A_508 = arith.mulf %get3A_505, %get3A_507 : vector<16xf32>
      %add3A_509 = arith.addf %add3A_469, %mul3A_508 : vector<16xf32>
      %mul3A_510 = arith.constant 16 : i32
      %mul3A_511 = arith.muli %scan3A_91, %mul3A_510 : i32
      %add3A_512 = arith.constant 21504 : i32
      %add3A_513 = arith.addi %add3A_512, %mul3A_511 : i32
      %get3A_514 = arith.index_cast %add3A_513 : i32 to index
      %get3A_515 = tpu.vector_load %arg12[%get3A_514] {strides = array<i32>} : memref<32768xf32, #tpu.memory_space<vmem>>, vector<16xf32>,
      %get3A_516 = arith.index_cast %add3A_513 : i32 to index
      %get3A_517 = tpu.vector_load %arg13[%get3A_516] {strides = array<i32>} : memref<32768xf32, #tpu.memory_space<vmem>>, vector<16xf32>,
      %mul3A_518 = arith.mulf %get3A_515, %get3A_517 : vector<16xf32>
      %add3A_519 = arith.addf %add3A_479, %mul3A_518 : vector<16xf32>
      %mul3A_520 = arith.constant 16 : i32
      %mul3A_521 = arith.muli %scan3A_91, %mul3A_520 : i32
      %add3A_522 = arith.constant 22016 : i32
      %add3A_523 = arith.addi %add3A_522, %mul3A_521 : i32
      %get3A_524 = arith.index_cast %add3A_523 : i32 to index
      %get3A_525 = tpu.vector_load %arg12[%get3A_524] {strides = array<i32>} : memref<32768xf32, #tpu.memory_space<vmem>>, vector<16xf32>,
      %get3A_526 = arith.index_cast %add3A_523 : i32 to index
      %get3A_527 = tpu.vector_load %arg13[%get3A_526] {strides = array<i32>} : memref<32768xf32, #tpu.memory_space<vmem>>, vector<16xf32>,
      %mul3A_528 = arith.mulf %get3A_525, %get3A_527 : vector<16xf32>
      %add3A_529 = arith.addf %add3A_489, %mul3A_528 : vector<16xf32>
      %mul3A_530 = arith.constant 16 : i32
      %mul3A_531 = arith.muli %scan3A_91, %mul3A_530 : i32
      %add3A_532 = arith.constant 22528 : i32
      %add3A_533 = arith.addi %add3A_532, %mul3A_531 : i32
      %get3A_534 = arith.index_cast %add3A_533 : i32 to index
      %get3A_535 = tpu.vector_load %arg12[%get3A_534] {strides = array<i32>} : memref<32768xf32, #tpu.memory_space<vmem>>, vector<16xf32>,
      %get3A_536 = arith.index_cast %add3A_533 : i32 to index
      %get3A_537 = tpu.vector_load %arg13[%get3A_536] {strides = array<i32>} : memref<32768xf32, #tpu.memory_space<vmem>>, vector<16xf32>,
      %mul3A_538 = arith.mulf %get3A_535, %get3A_537 : vector<16xf32>
      %add3A_539 = arith.addf %add3A_499, %mul3A_538 : vector<16xf32>
      %mul3A_540 = arith.constant 16 : i32
      %mul3A_541 = arith.muli %scan3A_91, %mul3A_540 : i32
      %add3A_542 = arith.constant 23040 : i32
      %add3A_543 = arith.addi %add3A_542, %mul3A_541 : i32
      %get3A_544 = arith.index_cast %add3A_543 : i32 to index
      %get3A_545 = tpu.vector_load %arg12[%get3A_544] {strides = array<i32>} : memref<32768xf32, #tpu.memory_space<vmem>>, vector<16xf32>,
      %get3A_546 = arith.index_cast %add3A_543 : i32 to index
      %get3A_547 = tpu.vector_load %arg13[%get3A_546] {strides = array<i32>} : memref<32768xf32, #tpu.memory_space<vmem>>, vector<16xf32>,
      %mul3A_548 = arith.mulf %get3A_545, %get3A_547 : vector<16xf32>
      %add3A_549 = arith.addf %add3A_509, %mul3A_548 : vector<16xf32>
      %mul3A_550 = arith.constant 16 : i32
      %mul3A_551 = arith.muli %scan3A_91, %mul3A_550 : i32
      %add3A_552 = arith.constant 23552 : i32
      %add3A_553 = arith.addi %add3A_552, %mul3A_551 : i32
      %get3A_554 = arith.index_cast %add3A_553 : i32 to index
      %get3A_555 = tpu.vector_load %arg12[%get3A_554] {strides = array<i32>} : memref<32768xf32, #tpu.memory_space<vmem>>, vector<16xf32>,
      %get3A_556 = arith.index_cast %add3A_553 : i32 to index
      %get3A_557 = tpu.vector_load %arg13[%get3A_556] {strides = array<i32>} : memref<32768xf32, #tpu.memory_space<vmem>>, vector<16xf32>,
      %mul3A_558 = arith.mulf %get3A_555, %get3A_557 : vector<16xf32>
      %add3A_559 = arith.addf %add3A_519, %mul3A_558 : vector<16xf32>
      %mul3A_560 = arith.constant 16 : i32
      %mul3A_561 = arith.muli %scan3A_91, %mul3A_560 : i32
      %add3A_562 = arith.constant 24064 : i32
      %add3A_563 = arith.addi %add3A_562, %mul3A_561 : i32
      %get3A_564 = arith.index_cast %add3A_563 : i32 to index
      %get3A_565 = tpu.vector_load %arg12[%get3A_564] {strides = array<i32>} : memref<32768xf32, #tpu.memory_space<vmem>>, vector<16xf32>,
      %get3A_566 = arith.index_cast %add3A_563 : i32 to index
      %get3A_567 = tpu.vector_load %arg13[%get3A_566] {strides = array<i32>} : memref<32768xf32, #tpu.memory_space<vmem>>, vector<16xf32>,
      %mul3A_568 = arith.mulf %get3A_565, %get3A_567 : vector<16xf32>
      %add3A_569 = arith.addf %add3A_529, %mul3A_568 : vector<16xf32>
      %mul3A_570 = arith.constant 16 : i32
      %mul3A_571 = arith.muli %scan3A_91, %mul3A_570 : i32
      %add3A_572 = arith.constant 24576 : i32
      %add3A_573 = arith.addi %add3A_572, %mul3A_571 : i32
      %get3A_574 = arith.index_cast %add3A_573 : i32 to index
      %get3A_575 = tpu.vector_load %arg12[%get3A_574] {strides = array<i32>} : memref<32768xf32, #tpu.memory_space<vmem>>, vector<16xf32>,
      %get3A_576 = arith.index_cast %add3A_573 : i32 to index
      %get3A_577 = tpu.vector_load %arg13[%get3A_576] {strides = array<i32>} : memref<32768xf32, #tpu.memory_space<vmem>>, vector<16xf32>,
      %mul3A_578 = arith.mulf %get3A_575, %get3A_577 : vector<16xf32>
      %add3A_579 = arith.addf %add3A_539, %mul3A_578 : vector<16xf32>
      %mul3A_580 = arith.constant 16 : i32
      %mul3A_581 = arith.muli %scan3A_91, %mul3A_580 : i32
      %add3A_582 = arith.constant 25088 : i32
      %add3A_583 = arith.addi %add3A_582, %mul3A_581 : i32
      %get3A_584 = arith.index_cast %add3A_583 : i32 to index
      %get3A_585 = tpu.vector_load %arg12[%get3A_584] {strides = array<i32>} : memref<32768xf32, #tpu.memory_space<vmem>>, vector<16xf32>,
      %get3A_586 = arith.index_cast %add3A_583 : i32 to index
      %get3A_587 = tpu.vector_load %arg13[%get3A_586] {strides = array<i32>} : memref<32768xf32, #tpu.memory_space<vmem>>, vector<16xf32>,
      %mul3A_588 = arith.mulf %get3A_585, %get3A_587 : vector<16xf32>
      %add3A_589 = arith.addf %add3A_549, %mul3A_588 : vector<16xf32>
      %mul3A_590 = arith.constant 16 : i32
      %mul3A_591 = arith.muli %scan3A_91, %mul3A_590 : i32
      %add3A_592 = arith.constant 25600 : i32
      %add3A_593 = arith.addi %add3A_592, %mul3A_591 : i32
      %get3A_594 = arith.index_cast %add3A_593 : i32 to index
      %get3A_595 = tpu.vector_load %arg12[%get3A_594] {strides = array<i32>} : memref<32768xf32, #tpu.memory_space<vmem>>, vector<16xf32>,
      %get3A_596 = arith.index_cast %add3A_593 : i32 to index
      %get3A_597 = tpu.vector_load %arg13[%get3A_596] {strides = array<i32>} : memref<32768xf32, #tpu.memory_space<vmem>>, vector<16xf32>,
      %mul3A_598 = arith.mulf %get3A_595, %get3A_597 : vector<16xf32>
      %add3A_599 = arith.addf %add3A_559, %mul3A_598 : vector<16xf32>
      %mul3A_600 = arith.constant 16 : i32
      %mul3A_601 = arith.muli %scan3A_91, %mul3A_600 : i32
      %add3A_602 = arith.constant 26112 : i32
      %add3A_603 = arith.addi %add3A_602, %mul3A_601 : i32
      %get3A_604 = arith.index_cast %add3A_603 : i32 to index
      %get3A_605 = tpu.vector_load %arg12[%get3A_604] {strides = array<i32>} : memref<32768xf32, #tpu.memory_space<vmem>>, vector<16xf32>,
      %get3A_606 = arith.index_cast %add3A_603 : i32 to index
      %get3A_607 = tpu.vector_load %arg13[%get3A_606] {strides = array<i32>} : memref<32768xf32, #tpu.memory_space<vmem>>, vector<16xf32>,
      %mul3A_608 = arith.mulf %get3A_605, %get3A_607 : vector<16xf32>
      %add3A_609 = arith.addf %add3A_569, %mul3A_608 : vector<16xf32>
      %mul3A_610 = arith.constant 16 : i32
      %mul3A_611 = arith.muli %scan3A_91, %mul3A_610 : i32
      %add3A_612 = arith.constant 26624 : i32
      %add3A_613 = arith.addi %add3A_612, %mul3A_611 : i32
      %get3A_614 = arith.index_cast %add3A_613 : i32 to index
      %get3A_615 = tpu.vector_load %arg12[%get3A_614] {strides = array<i32>} : memref<32768xf32, #tpu.memory_space<vmem>>, vector<16xf32>,
      %get3A_616 = arith.index_cast %add3A_613 : i32 to index
      %get3A_617 = tpu.vector_load %arg13[%get3A_616] {strides = array<i32>} : memref<32768xf32, #tpu.memory_space<vmem>>, vector<16xf32>,
      %mul3A_618 = arith.mulf %get3A_615, %get3A_617 : vector<16xf32>
      %add3A_619 = arith.addf %add3A_579, %mul3A_618 : vector<16xf32>
      %mul3A_620 = arith.constant 16 : i32
      %mul3A_621 = arith.muli %scan3A_91, %mul3A_620 : i32
      %add3A_622 = arith.constant 27136 : i32
      %add3A_623 = arith.addi %add3A_622, %mul3A_621 : i32
      %get3A_624 = arith.index_cast %add3A_623 : i32 to index
      %get3A_625 = tpu.vector_load %arg12[%get3A_624] {strides = array<i32>} : memref<32768xf32, #tpu.memory_space<vmem>>, vector<16xf32>,
      %get3A_626 = arith.index_cast %add3A_623 : i32 to index
      %get3A_627 = tpu.vector_load %arg13[%get3A_626] {strides = array<i32>} : memref<32768xf32, #tpu.memory_space<vmem>>, vector<16xf32>,
      %mul3A_628 = arith.mulf %get3A_625, %get3A_627 : vector<16xf32>
      %add3A_629 = arith.addf %add3A_589, %mul3A_628 : vector<16xf32>
      %mul3A_630 = arith.constant 16 : i32
      %mul3A_631 = arith.muli %scan3A_91, %mul3A_630 : i32
      %add3A_632 = arith.constant 27648 : i32
      %add3A_633 = arith.addi %add3A_632, %mul3A_631 : i32
      %get3A_634 = arith.index_cast %add3A_633 : i32 to index
      %get3A_635 = tpu.vector_load %arg12[%get3A_634] {strides = array<i32>} : memref<32768xf32, #tpu.memory_space<vmem>>, vector<16xf32>,
      %get3A_636 = arith.index_cast %add3A_633 : i32 to index
      %get3A_637 = tpu.vector_load %arg13[%get3A_636] {strides = array<i32>} : memref<32768xf32, #tpu.memory_space<vmem>>, vector<16xf32>,
      %mul3A_638 = arith.mulf %get3A_635, %get3A_637 : vector<16xf32>
      %add3A_639 = arith.addf %add3A_599, %mul3A_638 : vector<16xf32>
      %mul3A_640 = arith.constant 16 : i32
      %mul3A_641 = arith.muli %scan3A_91, %mul3A_640 : i32
      %add3A_642 = arith.constant 28160 : i32
      %add3A_643 = arith.addi %add3A_642, %mul3A_641 : i32
      %get3A_644 = arith.index_cast %add3A_643 : i32 to index
      %get3A_645 = tpu.vector_load %arg12[%get3A_644] {strides = array<i32>} : memref<32768xf32, #tpu.memory_space<vmem>>, vector<16xf32>,
      %get3A_646 = arith.index_cast %add3A_643 : i32 to index
      %get3A_647 = tpu.vector_load %arg13[%get3A_646] {strides = array<i32>} : memref<32768xf32, #tpu.memory_space<vmem>>, vector<16xf32>,
      %mul3A_648 = arith.mulf %get3A_645, %get3A_647 : vector<16xf32>
      %add3A_649 = arith.addf %add3A_609, %mul3A_648 : vector<16xf32>
      %mul3A_650 = arith.constant 16 : i32
      %mul3A_651 = arith.muli %scan3A_91, %mul3A_650 : i32
      %add3A_652 = arith.constant 28672 : i32
      %add3A_653 = arith.addi %add3A_652, %mul3A_651 : i32
      %get3A_654 = arith.index_cast %add3A_653 : i32 to index
      %get3A_655 = tpu.vector_load %arg12[%get3A_654] {strides = array<i32>} : memref<32768xf32, #tpu.memory_space<vmem>>, vector<16xf32>,
      %get3A_656 = arith.index_cast %add3A_653 : i32 to index
      %get3A_657 = tpu.vector_load %arg13[%get3A_656] {strides = array<i32>} : memref<32768xf32, #tpu.memory_space<vmem>>, vector<16xf32>,
      %mul3A_658 = arith.mulf %get3A_655, %get3A_657 : vector<16xf32>
      %add3A_659 = arith.addf %add3A_619, %mul3A_658 : vector<16xf32>
      %mul3A_660 = arith.constant 16 : i32
      %mul3A_661 = arith.muli %scan3A_91, %mul3A_660 : i32
      %add3A_662 = arith.constant 29184 : i32
      %add3A_663 = arith.addi %add3A_662, %mul3A_661 : i32
      %get3A_664 = arith.index_cast %add3A_663 : i32 to index
      %get3A_665 = tpu.vector_load %arg12[%get3A_664] {strides = array<i32>} : memref<32768xf32, #tpu.memory_space<vmem>>, vector<16xf32>,
      %get3A_666 = arith.index_cast %add3A_663 : i32 to index
      %get3A_667 = tpu.vector_load %arg13[%get3A_666] {strides = array<i32>} : memref<32768xf32, #tpu.memory_space<vmem>>, vector<16xf32>,
      %mul3A_668 = arith.mulf %get3A_665, %get3A_667 : vector<16xf32>
      %add3A_669 = arith.addf %add3A_629, %mul3A_668 : vector<16xf32>
      %mul3A_670 = arith.constant 16 : i32
      %mul3A_671 = arith.muli %scan3A_91, %mul3A_670 : i32
      %add3A_672 = arith.constant 29696 : i32
      %add3A_673 = arith.addi %add3A_672, %mul3A_671 : i32
      %get3A_674 = arith.index_cast %add3A_673 : i32 to index
      %get3A_675 = tpu.vector_load %arg12[%get3A_674] {strides = array<i32>} : memref<32768xf32, #tpu.memory_space<vmem>>, vector<16xf32>,
      %get3A_676 = arith.index_cast %add3A_673 : i32 to index
      %get3A_677 = tpu.vector_load %arg13[%get3A_676] {strides = array<i32>} : memref<32768xf32, #tpu.memory_space<vmem>>, vector<16xf32>,
      %mul3A_678 = arith.mulf %get3A_675, %get3A_677 : vector<16xf32>
      %add3A_679 = arith.addf %add3A_639, %mul3A_678 : vector<16xf32>
      %mul3A_680 = arith.constant 16 : i32
      %mul3A_681 = arith.muli %scan3A_91, %mul3A_680 : i32
      %add3A_682 = arith.constant 30208 : i32
      %add3A_683 = arith.addi %add3A_682, %mul3A_681 : i32
      %get3A_684 = arith.index_cast %add3A_683 : i32 to index
      %get3A_685 = tpu.vector_load %arg12[%get3A_684] {strides = array<i32>} : memref<32768xf32, #tpu.memory_space<vmem>>, vector<16xf32>,
      %get3A_686 = arith.index_cast %add3A_683 : i32 to index
      %get3A_687 = tpu.vector_load %arg13[%get3A_686] {strides = array<i32>} : memref<32768xf32, #tpu.memory_space<vmem>>, vector<16xf32>,
      %mul3A_688 = arith.mulf %get3A_685, %get3A_687 : vector<16xf32>
      %add3A_689 = arith.addf %add3A_649, %mul3A_688 : vector<16xf32>
      %mul3A_690 = arith.constant 16 : i32
      %mul3A_691 = arith.muli %scan3A_91, %mul3A_690 : i32
      %add3A_692 = arith.constant 30720 : i32
      %add3A_693 = arith.addi %add3A_692, %mul3A_691 : i32
      %get3A_694 = arith.index_cast %add3A_693 : i32 to index
      %get3A_695 = tpu.vector_load %arg12[%get3A_694] {strides = array<i32>} : memref<32768xf32, #tpu.memory_space<vmem>>, vector<16xf32>,
      %get3A_696 = arith.index_cast %add3A_693 : i32 to index
      %get3A_697 = tpu.vector_load %arg13[%get3A_696] {strides = array<i32>} : memref<32768xf32, #tpu.memory_space<vmem>>, vector<16xf32>,
      %mul3A_698 = arith.mulf %get3A_695, %get3A_697 : vector<16xf32>
      %add3A_699 = arith.addf %add3A_659, %mul3A_698 : vector<16xf32>
      %mul3A_700 = arith.constant 16 : i32
      %mul3A_701 = arith.muli %scan3A_91, %mul3A_700 : i32
      %add3A_702 = arith.constant 31232 : i32
      %add3A_703 = arith.addi %add3A_702, %mul3A_701 : i32
      %get3A_704 = arith.index_cast %add3A_703 : i32 to index
      %get3A_705 = tpu.vector_load %arg12[%get3A_704] {strides = array<i32>} : memref<32768xf32, #tpu.memory_space<vmem>>, vector<16xf32>,
      %get3A_706 = arith.index_cast %add3A_703 : i32 to index
      %get3A_707 = tpu.vector_load %arg13[%get3A_706] {strides = array<i32>} : memref<32768xf32, #tpu.memory_space<vmem>>, vector<16xf32>,
      %mul3A_708 = arith.mulf %get3A_705, %get3A_707 : vector<16xf32>
      %add3A_709 = arith.addf %add3A_669, %mul3A_708 : vector<16xf32>
      %mul3A_710 = arith.constant 16 : i32
      %mul3A_711 = arith.muli %scan3A_91, %mul3A_710 : i32
      %add3A_712 = arith.constant 31744 : i32
      %add3A_713 = arith.addi %add3A_712, %mul3A_711 : i32
      %get3A_714 = arith.index_cast %add3A_713 : i32 to index
      %get3A_715 = tpu.vector_load %arg12[%get3A_714] {strides = array<i32>} : memref<32768xf32, #tpu.memory_space<vmem>>, vector<16xf32>,
      %get3A_716 = arith.index_cast %add3A_713 : i32 to index
      %get3A_717 = tpu.vector_load %arg13[%get3A_716] {strides = array<i32>} : memref<32768xf32, #tpu.memory_space<vmem>>, vector<16xf32>,
      %mul3A_718 = arith.mulf %get3A_715, %get3A_717 : vector<16xf32>
      %add3A_719 = arith.addf %add3A_679, %mul3A_718 : vector<16xf32>
      %mul3A_720 = arith.constant 16 : i32
      %mul3A_721 = arith.muli %scan3A_91, %mul3A_720 : i32
      %add3A_722 = arith.constant 32256 : i32
      %add3A_723 = arith.addi %add3A_722, %mul3A_721 : i32
      %get3A_724 = arith.index_cast %add3A_723 : i32 to index
      %get3A_725 = tpu.vector_load %arg12[%get3A_724] {strides = array<i32>} : memref<32768xf32, #tpu.memory_space<vmem>>, vector<16xf32>,
      %get3A_726 = arith.index_cast %add3A_723 : i32 to index
      %get3A_727 = tpu.vector_load %arg13[%get3A_726] {strides = array<i32>} : memref<32768xf32, #tpu.memory_space<vmem>>, vector<16xf32>,
      %mul3A_728 = arith.mulf %get3A_725, %get3A_727 : vector<16xf32>
      %add3A_729 = arith.addf %add3A_689, %mul3A_728 : vector<16xf32>
      %add3A_730 = arith.addf %add3A_699, %add3A_709 : vector<16xf32>
      %add3A_731 = arith.addf %add3A_719, %add3A_729 : vector<16xf32>
      %add3A_732 = arith.addf %add3A_730, %add3A_731 : vector<16xf32>
      %get3A_733 = arith.index_cast %mul3A_93 : i32 to index
      %get3A_734 = tpu.vector_load %arg14[%get3A_733] {strides = array<i32>} : memref<512xf32, #tpu.memory_space<vmem>>, vector<16xf32>,
      %get3A_735 = arith.index_cast %mul3A_93 : i32 to index
      %get3A_736 = tpu.vector_load %arg15[%get3A_735] {strides = array<i32>} : memref<512xf32, #tpu.memory_space<vmem>>, vector<16xf32>,
      %add3A_737 = arith.addf %get3A_734, %get3A_736 : vector<16xf32>
      %add3A_738 = arith.addf %add3A_732, %add3A_737 : vector<16xf32>
      %add3A_739 = arith.addf %add3A_738, %get3A_84 : vector<16xf32>
      %swap3A = arith.index_cast %mul3A_93 : i32 to index
      %swap3A_740 = tpu.vector_load %arg17[%swap3A] {strides = array<i32>} : memref<512xf32, #tpu.memory_space<vmem>>, vector<16xf32>,
      tpu.vector_store %arg17[%swap3A], %add3A_739 {strides = array<i32>} : memref<512xf32, #tpu.memory_space<vmem>>, vector<16xf32>,
    }
    %scan3A_90 = arith.constant 32 : i32
    "tpu.region"() ({
      %run_scoped3A = tpu.sem_alloc : memref<!tpu.dma_semaphore, #tpu.memory_space<semaphore_mem>>
      %dma_start3A_91 = tpu.memref_slice %arg9[%mul3A_2] : memref<16384xf32, #tpu.memory_space<hbm>> -> memref<512xf32, #tpu.memory_space<hbm>>
      %dma_start3A_92 = tpu.memref_slice %arg9[%mul3A_2] : memref<16384xf32, #tpu.memory_space<hbm>> -> memref<512xf32, #tpu.memory_space<hbm>>
      tpu.enqueue_dma source(%arg17 : memref<512xf32, #tpu.memory_space<vmem>>) target(%dma_start3A_92 : memref<512xf32, #tpu.memory_space<hbm>>) target_semaphore(%run_scoped3A : memref<!tpu.dma_semaphore, #tpu.memory_space<semaphore_mem>>)
      %dma_wait3A_93 = tpu.memref_slice %arg9[%mul3A_2] : memref<16384xf32, #tpu.memory_space<hbm>> -> memref<512xf32, #tpu.memory_space<hbm>>
      %dma_wait3A_94 = tpu.memref_slice %arg9[%mul3A_2] : memref<16384xf32, #tpu.memory_space<hbm>> -> memref<512xf32, #tpu.memory_space<hbm>>
      tpu.wait_dma2 semaphore(%run_scoped3A : memref<!tpu.dma_semaphore, #tpu.memory_space<semaphore_mem>>) src(%arg17 : memref<512xf32, #tpu.memory_space<vmem>>) dst(%dma_wait3A_94 : memref<512xf32, #tpu.memory_space<hbm>>)
      tpu.yield
    }) : () -> ()
    return
  }
}

</mosaic_0001>

<sc_bundles>
// kernel: kernel.3.cloned.1.call-start
scs
__scs_entry_jumppad:
0x0: {  	(pc) =	sbr.rel $0x88, $3  }
0x1: {  	(tag) =	ssettag $0x0;
	lr =	simm.s32 $0x1  }
0x2: {  	[smem:$0x3F9A] =	sst lr;
	_ =	strace $0xD0000000  }
0x3: {  	_ = 	snop  }
0x4: {  	_ = 	snop  }
0x5: {  	_ = 	snop  }
0x6: {  	_ = 	snop  }
0x7: {  	_ = 	snop  }
__scs_overlays_trampoline_lowered:
0x8: {  	[smem:$0x3FA9] =	sst s0  }
0x9: {  	[smem:$0x3FAA] =	sst s1  }
0xa: {  	[smem:$0x3FAB] =	sst s2  }
0xb: {  	[smem:$0x3FAC] =	sst s3  }
0xc: {  	[smem:$0x3FAD] =	sst s4  }
0xd: {  	[smem:$0x3FAE] =	sst s5  }
0xe: {  	[smem:$0x3FAF] =	sst s6  }
0xf: {  	[smem:$0x3FB0] =	sst s7  }
0x10: {  	[smem:$0x3FB1] =	sst s8  }
0x11: {  	[smem:$0x3FB2] =	sst s9;
	s0 =	simm.s32 @!p0 $0x0  }
0x12: {  	s1 =	sld [smem:$0x3F98];
	s0 =	simm.s32 @p0 $0x1  }
0x13: {  	[smem:$0x3FB3] =	sst s0;
	s0 =	simm.s32 @!p1 $0x0  }
0x14: {  	s2 =	sld [smem:$0x3F97];
	s0 =	simm.s32 @p1 $0x1  }
0x15: {  	[smem:$0x3FB4] =	sst s0;
	s0 =	simm.s32 @!p2 $0x0  }
0x16: {  	s3 =	sld [smem:$0x3FDB];
	s0 =	simm.s32 @p2 $0x1  }
0x17: {  	s4 =	simm.s32 $0x1BF5;
	[smem:$0x3FB6] =	sst s0  }
0x18: {  	s0 =	sld [smem:$0x3F99];
	_ =	swait.ge [sflag:s4], $0x0  }
0x19: {  	s7 =	sld [smem:$0x3F9A]  }
0x1a: {  	s8 =	sadd.s32 $0xFFFFE003, lr  }
0x1b: {  	s9 =	sadd.s32 $0xFFFFFEF7, lr;
	s5 =	simm.s32 $0xFFFFFFFF;
	p2 =	slt.u32 s8, $0xFFFFF086  }
0x1c: {  	p1 =	slt.u32 s9, $0xF7A;
	s5 =	simm.s32 @!p2 $0x0  }
0x1d: {  	s5 =	simm.s32 @p1 $0x1;
	p0 =	seq.s32 s7, s2  }
0x1e: {  	s7 =	smul.u32 @!p0 $0xF7A, s2;
	p2 =	seq.s32 @!p0 s5, $0x0  }
0x1f: {  	s9 =	smul.u32 $0xF7A, s1;
	s8 =	simm.s32 @!p0 $0x1BF5;
	p2 =	por !p2, p0  }
0x20: {  	[sflag:s8] =	ssyncset.s32 @!p0 $0xFFFFF086;
	s6 =	sadd.s32 @!p0 s3, s7;
	s7 =	simm.s32 @!p0 $0x108  }
0x21: {  	s3 =	sadd.s32 s3, s9;
	s6 =	sadd.s32 @!p0 $0x88, s6;
	s7 =	simm.s32 @p2 $0x1082  }
0x22: {  	[simem:s7], [sflag:s8] =	dma.local @!p0 [hbm:s6], $0xF7A  }
0x23: {  	s9 =	sor.u32 $0xD0000000, s2;
	s6 =	simm.s32 $0x108;
	_ =	swait.ge @!p0 [sflag:s8], $0x0  }
0x24: {  	s3 =	sadd.s32 $0x88, s3;
	s6 =	simm.s32 @!p1 $0x1082;
	[sflag:s4] =	ssyncset.s32 $0xFFFFF086  }
0x25: {  	[simem:s6], [sflag:s4] =	dma.local [hbm:s3], $0xF7A  }
0x26: {  	[smem:$0x3F9A] =	sst s1;
	(tag) =	ssettag s2;
	_ =	strace s9  }
0x27: {  	s1 =	sld [smem:$0x3FAA]  }
0x28: {  	s2 =	sld [smem:$0x3FAB]  }
0x29: {  	s4 =	sld [smem:$0x3FAD]  }
0x2a: {  	p0 =	seq.s32 s5, $0x0;
	s5 =	sld [smem:$0x3FAE]  }
0x2b: {  	s6 =	sld [smem:$0x3FAF]  }
0x2c: {  	s7 =	sld [smem:$0x3FB0]  }
0x2d: {  	s3 =	simm.s32 $0x108;
	s8 =	sld [smem:$0x3FB1]  }
0x2e: {  	s3 =	simm.s32 @!p0 $0x1082;
	s9 =	sld [smem:$0x3FB2]  }
0x2f: {  	lr =	sadd.s32 s0, s3;
	s0 =	sld [smem:$0x3FA9]  }
0x30: {  	s3 =	sld [smem:$0x3FAC]  }
0x31: {  	[smem:$0x3FB5] =	sst s10  }
0x32: {  	s10 =	sld [smem:$0x3FB3];
	_ =	sdelay $0x3  }
0x33: {  	p0 =	seq.s32 s10, $0x1;
	s10 =	sld [smem:$0x3FB5];
	_ =	sdelay $0x3  }
0x34: {  	[smem:$0x3FB5] =	sst s10  }
0x35: {  	s10 =	sld [smem:$0x3FB4];
	_ =	sdelay $0x3  }
0x36: {  	p1 =	seq.s32 s10, $0x1;
	s10 =	sld [smem:$0x3FB5];
	_ =	sdelay $0x3  }
0x37: {  	[smem:$0x3FB5] =	sst s10  }
0x38: {  	s10 =	sld [smem:$0x3FB6]  }
0x39: {  	_ = 	snop;
	(pc) =	sbr.ind lr, $3  }
0x3a: {  	_ = 	snop  }
0x3b: {  	_ = 	snop  }
0x3c: {  	p2 =	seq.s32 s10, $0x1;
	s10 =	sld [smem:$0x3FB5]  }
0x3d: {  	_ =	shalt  }
0x3e: {  	_ =	shalt  }
0x3f: {  	_ =	shalt  }
0x40: {  	_ =	shalt  }
0x41: {  	_ =	shalt  }
0x42: {  	_ =	shalt  }
0x43: {  	_ =	shalt  }
0x44: {  	_ =	shalt  }
0x45: {  	_ =	shalt  }
0x46: {  	_ =	shalt  }
0x47: {  	_ =	shalt  }
0x48: {  	_ =	shalt  }
0x49: {  	_ =	shalt  }
0x4a: {  	_ =	shalt  }
0x4b: {  	_ =	shalt  }
0x4c: {  	_ =	shalt  }
0x4d: {  	_ =	shalt  }
0x4e: {  	_ =	shalt  }
0x4f: {  	_ =	shalt  }
0x50: {  	_ =	shalt  }
0x51: {  	_ =	shalt  }
0x52: {  	_ =	shalt  }
0x53: {  	_ =	shalt  }
0x54: {  	_ =	shalt  }
0x55: {  	_ =	shalt  }
0x56: {  	_ =	shalt  }
0x57: {  	_ =	shalt  }
0x58: {  	_ =	shalt  }
0x59: {  	_ =	shalt  }
0x5a: {  	_ =	shalt  }
0x5b: {  	_ =	shalt  }
0x5c: {  	_ =	shalt  }
0x5d: {  	_ =	shalt  }
0x5e: {  	_ =	shalt  }
0x5f: {  	_ =	shalt  }
0x60: {  	_ =	shalt  }
0x61: {  	_ =	shalt  }
0x62: {  	_ =	shalt  }
0x63: {  	_ =	shalt  }
0x64: {  	_ =	shalt  }
0x65: {  	_ =	shalt  }
0x66: {  	_ =	shalt  }
0x67: {  	_ =	shalt  }
0x68: {  	_ =	shalt  }
0x69: {  	_ =	shalt  }
0x6a: {  	_ =	shalt  }
0x6b: {  	_ =	shalt  }
0x6c: {  	_ =	shalt  }
0x6d: {  	_ =	shalt  }
0x6e: {  	_ =	shalt  }
0x6f: {  	_ =	shalt  }
0x70: {  	_ =	shalt  }
0x71: {  	_ =	shalt  }
0x72: {  	_ =	shalt  }
0x73: {  	_ =	shalt  }
0x74: {  	_ =	shalt  }
0x75: {  	_ =	shalt  }
0x76: {  	_ =	shalt  }
0x77: {  	_ =	shalt  }
0x78: {  	_ =	shalt  }
0x79: {  	_ =	shalt  }
0x7a: {  	_ =	shalt  }
0x7b: {  	_ =	shalt  }
0x7c: {  	_ =	shalt  }
0x7d: {  	_ =	shalt  }
0x7e: {  	_ =	shalt  }
0x7f: {  	_ =	shalt  }
0x80: {  	_ =	shalt  }
0x81: {  	_ =	shalt  }
0x82: {  	_ =	shalt  }
0x83: {  	_ =	shalt  }
0x84: {  	_ =	shalt  }
0x85: {  	_ =	shalt  }
0x86: {  	_ =	shalt  }
0x87: {  	_ =	shalt  }
.Lfunc_end0:
.L_simem_size_0:
called_computation_lowered:
.L_overlay_start_0:
0x88: {  	s2 =	sld [smem:$0x3FD9]  }
0x89: {  	s3 =	sld [smem:$0x3FFE];
	_ =	sdelay $0x1  }
0x8a: {  	s1 =	srdreg.scid  }
0x8b: {  	s0 =	sand.u32 $0x1, s1  }
0x8c: {  	s17 =	sshll.u32 s0, $0xA;
	s2 =	sadd.s32 s3, s2  }
0x8d: {  	s2 =	sadd.s32 s2, s17  }
0x8e: {  	[smem:$0x3FC1] =	sst s2  }
0x8f: {  	_ = 	snop  }
0x90: {  	s2 =	sld [smem:$0x3FC9]  }
0x91: {  	s18 =	sld [smem:$0x3FC8]  }
0x92: {  	s4 =	sld [smem:$0x3FD0];
	(tm) =	ssettm $0x1  }
0x93: {  	s5 =	sld [smem:$0x3FFB];
	_ =	sdelay $0x3  }
0x94: {  	_ =	strace s5  }
0x95: {  	s5 =	sld [smem:$0x3FFC];
	_ =	sdelay $0x3  }
0x96: {  	_ =	strace s5  }
0x97: {  	s5 =	sld [smem:$0x3FFD];
	_ =	sdelay $0x3  }
0x98: {  	_ =	strace s5  }
0x99: {  	_ =	strace $0x8FFFFFFF  }
0x9a: {  	s19 =	sld [smem:$0x3FDB];
	_ =	sdelay $0x1  }
0x9b: {  	s6 =	simm.s32 $_scs_section_size  }
0x9c: {  	s7 =	simm.s32 $_size__tile_overlayer_lowered;
	s8 =	simm.s32 $_tile_overlayer_lowered  }
0x9d: {  	s22 =	simm.s32 $0x1BFF;
	s21 =	sshll.u32 s8, $0x1;
	s5 =	sadd.s32 s6, s19  }
0x9e: {  	s9 =	simm.s32 $0x0;
	s20 =	sshll.u32 s7, $0x1;
	s7 =	sadd.s32 s21, s5  }
0x9f: {  	[timem:s9], [sflag:s22] =	dma.local [hbm:s7], s20  }
0xa0: {  	_ =	swait.ge [sflag:s22], s20  }
0xa1: {  	s6 =	ssub.s32 $0x0, s20;
	[sflag:s22] =	ssyncset.done $0x0  }
0xa2: {  	[sflag:s22] =	ssyncadd.s32 s6;
	_ =	sdelay $0x1  }
0xa3: {  	s23 =	simm.s32 $0x1B8B  }
0xa4: {  	_ =	swait.ge [sflag:s23], $0x1  }
0xa5: {  	[sflag:s23] =	ssyncset.done $0x0  }
0xa6: {  	s25 =	simm.s32 $0x1B8E;
	s24 =	sld [smem:$0x3FFE];
	[sflag:s23] =	ssyncadd.s32 $0xFFFFFFFF  }
0xa7: {  	s26 =	simm.s32 $execute0_lowered;
	[smem:$0x3FD2] =	sst s25  }
0xa8: {  	s7 =	sshll.u32 s26, $0x1;
	_ =	strace $0x80000046;
	[dreg:$0x1] =	wrdreg $0xFFFFFFFF  }
0xa9: {  	s28 =	simm.s32 $_size_execute0_lowered;
	s5 =	sadd.s32 s5, s7;
	[dreg:$0x0] =	wrdreg $0x0  }
0xaa: {  	s7 =	sshll.u32 s28, $0x1;
	[dreg:$0x2] =	wrdreg s5  }
0xab: {  	[dreg:$0x3] =	wrdreg s7  }
0xac: {  	[dreg:$0x4] =	wrdreg $0xC0  }
0xad: {  	_ =	task [dreg:s9], $0x5FFFF  }
0xae: {  	[dreg:$0x1] =	wrdreg $0xFFFFFFFF  }
0xaf: {  	[dreg:$0x0] =	wrdreg $0x60  }
0xb0: {  	[dreg:$0x2] =	wrdreg s2  }
0xb1: {  	[dreg:$0x3] =	wrdreg s18  }
0xb2: {  	[dreg:$0x4] =	wrdreg s24  }
0xb3: {  	[dreg:$0x5] =	wrdreg s4  }
0xb4: {  	[dreg:$0x6] =	wrdreg $0x9  }
0xb5: {  	_ =	task.clear_ibuf [dreg:s9], $0x7FFFF;
	_ =	strace $0x90000046  }
0xb6: {  	s29 =	simm.s32 $0x9;
	_ =	strace $0x80000048  }
0xb7: {  	_ =	swait.ge [sflag:s29], $0x1  }
0xb8: {  	[sflag:s29] =	ssyncadd.s32 $0xFFFFFFFF  }
0xb9: {  	_ =	strace $0x90000048  }
0xba: {  	_ =	sfence  }
0xbb: {  	s30 =	sld [smem:$0x0];
	_ =	sdelay $0x2  }
0xbc: {  	s31 =	sshll.u32 s1, $0xD;
	s1 =	sshrl.u32 s1, $0x2  }
0xbd: {  	s3 =	sand.u32 $0x4000, s31;
	s1 =	sadd.s32 s1, s30  }
0xbe: {  	s0 =	sor.u32 s3, s0;
	s1 =	sshll.u32 s1, $0x11  }
0xbf: {  	s0 =	sor.u32 s1, s0  }
0xc0: {  	s0 =	sadd.s32 $0x8F2B, s0  }
0xc1: {  	[sflag:s0] =	ssyncadd.remote.s32 $0x1  }
0xc2: {  	_ =	sfence.sel $0xFFFF  }
0xc3: {  	[dreg:$0x0] =	wrdreg $0xFFFFFFFF;
	(pc) =	sbr.abs _section_cstart, $3  }
0xc4: {  	[dreg:$0x1] =	wrdreg $0xFFFFFFFF  }
0xc5: {  	_ =	task.clear_ibuf [dreg:s9], $0x2FFFF;
	_ =	strace $0x9FFFFFFF  }
0xc6: {  	(tm) =	ssettm $0x7FFFFFFF  }
0xc7: {  	_ =	shalt  }
tec
execute0_lowered:
.L_overlay_start_1:
0x0: {  	(tag) =	ssettag $0x1  }
0x1: {  	s0 =	rddreg [dreg:$0x0]  }
0x2: {  	s1 =	rddreg [dreg:$0x1]  }
0x3: {  	s17 =	rddreg [dreg:$0x2]  }
0x4: {  	s3 =	rddreg [dreg:$0x3]  }
0x5: {  	s2 =	simm.s32 $0x0;
	s6 =	srdreg.scid;
	s10 =	stileid.u32  }
0x6: {  	s13 =	simm.s32 $0x200;
	s15 =	simm.s32 $0x80;
	s19 =	simm.s32 $0x280  }
0x7: {  	s21 =	simm.s32 $0x100;
	s23 =	simm.s32 $0x300;
	s25 =	simm.s32 $0x180  }
0x8: {  	s26 =	simm.s32 $0x10580;
	s28 =	simm.s32 $0x380;
	s29 =	simm.s32 $0x10780  }
0x9: {  	s30 =	simm.s32 $0x1;
	s31 =	simm.s32 $0x10810;
	[smem:$0x7FF] =	sst s2  }
0xa: {  	s4 =	sadd.s32 $0x7A1200, s17;
	s5 =	sadd.s32 $0xF60E00, s17;
	s7 =	sand.u32 $0x1, s6  }
0xb: {  	s6 =	sadd.s32 $0xF42400, s17;
	s10 =	sshll.u32 s10, $0x7;
	s8 =	ssub.s32 $0x2, s7  }
0xc: {  	_ =	strace $0x80000047;
	s11 =	sshll.u32 s7, $0x6;
	s9 =	sshrl.u32 s8, $0x1  }
0xd: {  	s7 =	sadd.s32 $0xF7F800, s17;
	s10 =	sor.u32 s11, s10;
	s12 =	ssub.s32 s8, s9  }
0xe: {  	s8 =	sadd.s32 s0, s10;
	s9 =	sadd.s32 s1, s10;
	s10 =	sadd.s32 s3, s10  }
0xf: {  	s0 =	simm.s32 $0x0;
	s11 =	smax.u32 s12, $0x1;
	s12 =	simm.s32 $0x2  }
.LBB2_1:
0x10: {  	[tilespmem:s2], [sflag:$0x2] =	stream.linear.gather [hbm4b:s8+s2], $0x200, $0x38;
	[tilespmem:$0x10A10] =	vst v63  }
0x11: {  	_ =	swait.ge [sflag:s12], $0x200  }
0x12: {  	[sflag:s12] =	ssyncset.done $0x0  }
0x13: {  	[sflag:s12] =	ssyncadd.s32 $0xFFFFFE00  }
0x14: {  	[tilespmem:s13], [sflag:$0x2] =	stream.linear.gather [hbm4b:s9+s2], $0x200, $0x38;
	[tilespmem:$0x10A10] =	vst v63  }
0x15: {  	_ =	swait.ge [sflag:s12], $0x200  }
0x16: {  	[sflag:s12] =	ssyncset.done $0x0  }
0x17: {  	s1 =	simm.s32 $0x10800;
	[sflag:s12] =	ssyncadd.s32 $0xFFFFFE00  }
0x18: {  	[tilespmem:s1], [sflag:$0x2] =	stream.linear.gather [hbm4b:s7+s2], $0x10, $0x38;
	[tilespmem:$0x10A10] =	vst v63  }
0x19: {  	_ =	swait.ge [sflag:s12], $0x10  }
0x1a: {  	[sflag:s12] =	ssyncset.done $0x0  }
0x1b: {  	s14 =	simm.s32 $0x10400;
	[sflag:s12] =	ssyncadd.s32 $0xFFFFFFF0  }
0x1c: {  	[tilespmem:s14], [sflag:$0x1] =	stream.indirect.gather [hbm4b:s5+s15], $0x1, s2, s15, $0xb8;
	[tilespmem:$0x10A10] =	vst v63  }
0x1d: {  	s16 =	simm.s32 $0x10600  }
0x1e: {  	[tilespmem:s16], [sflag:$0x1] =	stream.indirect.gather [hbm4b:s6+s15], $0x1, s13, s15, $0xb8;
	[tilespmem:$0x10A10] =	vst v63  }
0x1f: {  	s18 =	simm.s32 $0x10480  }
0x20: {  	[tilespmem:s18], [sflag:$0x1] =	stream.indirect.gather [hbm4b:s5+s15], $0x1, s15, s15, $0xb8;
	[tilespmem:$0x10A10] =	vst v63  }
0x21: {  	s20 =	simm.s32 $0x10680  }
0x22: {  	[tilespmem:s20], [sflag:$0x1] =	stream.indirect.gather [hbm4b:s6+s15], $0x1, s19, s15, $0xb8;
	[tilespmem:$0x10A10] =	vst v63  }
0x23: {  	s22 =	simm.s32 $0x10500  }
0x24: {  	[tilespmem:s22], [sflag:$0x1] =	stream.indirect.gather [hbm4b:s5+s15], $0x1, s21, s15, $0xb8;
	[tilespmem:$0x10A10] =	vst v63  }
0x25: {  	s24 =	simm.s32 $0x10700  }
0x26: {  	[tilespmem:s24], [sflag:$0x1] =	stream.indirect.gather [hbm4b:s6+s15], $0x1, s23, s15, $0xb8;
	[tilespmem:$0x10A10] =	vst v63  }
0x27: {  	_ = 	snop  }
0x28: {  	[tilespmem:s26], [sflag:$0x1] =	stream.indirect.gather [hbm4b:s5+s15], $0x1, s25, s15, $0xb8;
	[tilespmem:$0x10A10] =	vst v63  }
0x29: {  	_ = 	snop  }
0x2a: {  	[tilespmem:s29], [sflag:$0x1] =	stream.indirect.gather [hbm4b:s6+s15], $0x1, s28, s15, $0xb8;
	[tilespmem:$0x10A10] =	vst v63  }
0x2b: {  	s3 =	simm.s32 $0x400  }
0x2c: {  	[tilespmem:s3], [sflag:$0x1] =	stream.indirect.gather [hbm4b:s4+s15], $0x1, s2, s15, $0xb8;
	[tilespmem:$0x10A10] =	vst v63  }
0x2d: {  	s14 =	simm.s32 $0x8400  }
0x2e: {  	[tilespmem:s14], [sflag:$0x1] =	stream.indirect.gather [hbm4b:s17+s15], $0x1, s13, s15, $0xb8;
	[tilespmem:$0x10A10] =	vst v63  }
0x2f: {  	s16 =	simm.s32 $0x480  }
0x30: {  	[tilespmem:s16], [sflag:$0x1] =	stream.indirect.gather [hbm4b:s4+s15], $0x1, s15, s15, $0xb8;
	[tilespmem:$0x10A10] =	vst v63  }
0x31: {  	s18 =	simm.s32 $0x8480  }
0x32: {  	[tilespmem:s18], [sflag:$0x1] =	stream.indirect.gather [hbm4b:s17+s15], $0x1, s19, s15, $0xb8;
	[tilespmem:$0x10A10] =	vst v63  }
0x33: {  	s1 =	smov.u32 s17;
	s20 =	simm.s32 $0x500;
	s22 =	simm.s32 $0x8500  }
0x34: {  	[tilespmem:s20], [sflag:$0x1] =	stream.indirect.gather [hbm4b:s4+s15], $0x1, s21, s15, $0xb8;
	[tilespmem:$0x10A10] =	vst v63  }
0x35: {  	s24 =	simm.s32 $0x580;
	s3 =	sadd.s32 $0x1E848, s17;
	s14 =	simm.s32 $0x200  }
0x36: {  	[tilespmem:s22], [sflag:$0x1] =	stream.indirect.gather [hbm4b:s17+s15], $0x1, s23, s15, $0xb8;
	[tilespmem:$0x10A10] =	vst v63  }
0x37: {  	s16 =	sadd.s32 $0x1E848, s4;
	s18 =	simm.s32 $0x1000;
	s20 =	simm.s32 $0x8580  }
0x38: {  	[tilespmem:s24], [sflag:$0x1] =	stream.indirect.gather [hbm4b:s4+s15], $0x1, s25, s15, $0xb8;
	[tilespmem:$0x10A10] =	vst v63  }
.LBB2_2:
0x39: {  	[tilespmem:s20], [sflag:$0x1] =	stream.indirect.gather [hbm4b:s1+s15], $0x1, s28, s15, $0xb8;
	[tilespmem:$0x10A10] =	vst v63  }
0x3a: {  	s20 =	smov.u32 s14;
	s14 =	smov.u32 s18;
	s1 =	smov.u32 s3  }
0x3b: {  	s22 =	sadd.s32 $0x800, s18;
	s14 =	sshra.s32 s14, $0x2;
	s24 =	sadd.s32 $0x400, s20  }
0x3c: {  	[tilespmem:s24], [sflag:$0x1] =	stream.indirect.gather [hbm4b:s16+s15], $0x1, s2, s15, $0xb8;
	[tilespmem:$0x10A10] =	vst v63  }
0x3d: {  	p0 =	sne.s32 s18, $0x1F800;
	s18 =	sadd.s32 $0x8400, s20  }
0x3e: {  	[tilespmem:s18], [sflag:$0x1] =	stream.indirect.gather [hbm4b:s3+s15], $0x1, s13, s15, $0xb8;
	[tilespmem:$0x10A10] =	vst v63  }
0x3f: {  	s18 =	sadd.s32 $0x480, s20  }
0x40: {  	[tilespmem:s18], [sflag:$0x1] =	stream.indirect.gather [hbm4b:s16+s15], $0x1, s15, s15, $0xb8;
	[tilespmem:$0x10A10] =	vst v63  }
0x41: {  	s18 =	sadd.s32 $0x8480, s20  }
0x42: {  	[tilespmem:s18], [sflag:$0x1] =	stream.indirect.gather [hbm4b:s3+s15], $0x1, s19, s15, $0xb8;
	[tilespmem:$0x10A10] =	vst v63  }
0x43: {  	s18 =	sadd.s32 $0x500, s20  }
0x44: {  	[tilespmem:s18], [sflag:$0x1] =	stream.indirect.gather [hbm4b:s16+s15], $0x1, s21, s15, $0xb8;
	[tilespmem:$0x10A10] =	vst v63  }
.Ltmp0:
0x45: {  	s18 =	sadd.s32 $0x8500, s20;
	(pc) =	sbr.rel @p0 .LBB2_2-.Ltmp0, $4  }
0x46: {  	[tilespmem:s18], [sflag:$0x1] =	stream.indirect.gather [hbm4b:s3+s15], $0x1, s23, s15, $0xb8;
	[tilespmem:$0x10A10] =	vst v63  }
0x47: {  	s18 =	sadd.s32 $0x580, s20;
	s20 =	sadd.s32 $0x8580, s20  }
0x48: {  	[tilespmem:s18], [sflag:$0x1] =	stream.indirect.gather [hbm4b:s16+s15], $0x1, s25, s15, $0xb8;
	[tilespmem:$0x10A10] =	vst v63  }
0x49: {  	s3 =	sadd.s32 $0x1E848, s3;
	s16 =	sadd.s32 $0x1E848, s16;
	s18 =	smov.u32 s22  }
0x4a: {  	[tilespmem:s20], [sflag:$0x1] =	stream.indirect.gather [hbm4b:s1+s15], $0x1, s28, s15, $0xb8;
	[tilespmem:$0x10A10] =	vst v63  }
0x4b: {  	s18 =	sadd.s32 $0x400, s14  }
0x4c: {  	[tilespmem:s18], [sflag:$0x1] =	stream.indirect.gather [hbm4b:s16+s15], $0x1, s2, s15, $0xb8;
	[tilespmem:$0x10A10] =	vst v63  }
0x4d: {  	s20 =	sadd.s32 $0x8400, s14  }
0x4e: {  	[tilespmem:s20], [sflag:$0x1] =	stream.indirect.gather [hbm4b:s3+s15], $0x1, s13, s15, $0xb8;
	[tilespmem:$0x10A10] =	vst v63  }
0x4f: {  	s22 =	sadd.s32 $0x480, s14  }
0x50: {  	[tilespmem:s22], [sflag:$0x1] =	stream.indirect.gather [hbm4b:s16+s15], $0x1, s15, s15, $0xb8;
	[tilespmem:$0x10A10] =	vst v63  }
0x51: {  	s24 =	sadd.s32 $0x8480, s14  }
0x52: {  	[tilespmem:s24], [sflag:$0x1] =	stream.indirect.gather [hbm4b:s3+s15], $0x1, s19, s15, $0xb8;
	[tilespmem:$0x10A10] =	vst v63  }
0x53: {  	s18 =	sadd.s32 $0x500, s14  }
0x54: {  	[tilespmem:s18], [sflag:$0x1] =	stream.indirect.gather [hbm4b:s16+s15], $0x1, s21, s15, $0xb8;
	[tilespmem:$0x10A10] =	vst v63  }
0x55: {  	s20 =	sadd.s32 $0x8500, s14  }
0x56: {  	[tilespmem:s20], [sflag:$0x1] =	stream.indirect.gather [hbm4b:s3+s15], $0x1, s23, s15, $0xb8;
	[tilespmem:$0x10A10] =	vst v63  }
0x57: {  	s22 =	sadd.s32 $0x580, s14  }
0x58: {  	[tilespmem:s22], [sflag:$0x1] =	stream.indirect.gather [hbm4b:s16+s15], $0x1, s25, s15, $0xb8;
	[tilespmem:$0x10A10] =	vst v63  }
0x59: {  	s24 =	sadd.s32 $0x8580, s14  }
0x5a: {  	[tilespmem:s24], [sflag:$0x1] =	stream.indirect.gather [hbm4b:s3+s15], $0x1, s28, s15, $0xb8;
	[tilespmem:$0x10A10] =	vst v63  }
0x5b: {  	_ =	swait.ge [sflag:s30], $0x8000  }
0x5c: {  	[sflag:s30] =	ssyncset.done $0x0  }
0x5d: {  	[sflag:s30] =	ssyncadd.s32 $0xFFFF8000  }
0x5e: {  	_ =	swait.ge [sflag:s30], $0x8000  }
0x5f: {  	[sflag:s30] =	ssyncset.done $0x0  }
0x60: {  	[sflag:s30] =	ssyncadd.s32 $0xFFFF8000  }
0x61: {  	_ =	swait.ge [sflag:s30], $0x200  }
0x62: {  	[sflag:s30] =	ssyncset.done $0x0  }
0x63: {  	[sflag:s30] =	ssyncadd.s32 $0xFFFFFE00  }
0x64: {  	_ =	swait.ge [sflag:s30], $0x200  }
0x65: {  	[sflag:s30] =	ssyncset.done $0x0  }
0x66: {  	[sflag:s30] =	ssyncadd.s32 $0xFFFFFE00  }
0x67: {  	v0 =	vld [tilespmem:$0x10800];
	_ =	sdelay $0x3  }
0x68: {  	s3 =	simm.s32 $0x0  }
0x69: {  	[tilespmem:$0x1FE30] =	vst v0;
	v0 =	vld [tilespmem:s3+$0x7400];
	_ =	sdelay $0x4  }
0x6a: {  	[tilespmem:$0x1FF20] =	vst v0;
	v0 =	vld [tilespmem:s3+$0x6C00];
	_ =	sdelay $0x4  }
0x6b: {  	[tilespmem:$0x1FF40] =	vst v0;
	v0 =	vld [tilespmem:s3+$0x6400];
	_ =	sdelay $0x4  }
0x6c: {  	[tilespmem:$0x1FF70] =	vst v0;
	v0 =	vld [tilespmem:s3+$0x5C00]  }
0x6d: {  	v29 =	vld [tilespmem:s3+$0x7C00]  }
0x6e: {  	v15 =	vld [tilespmem:s3+$0xFC00]  }
0x6f: {  	v16 =	vld [tilespmem:s3+$0x7E00]  }
0x70: {  	v2 =	vld [tilespmem:s3+$0xFE00]  }
0x71: {  	[tilespmem:$0x1FF80] =	vst v0;
	v0 =	vld [tilespmem:s3+$0xE000]  }
0x72: {  	v18 =	vld [tilespmem:s3+$0x8000]  }
0x73: {  	v19 =	vld [tilespmem:s3+$0x10000]  }
0x74: {  	v12 =	vld [tilespmem:s3+$0xF400]  }
0x75: {  	v20 =	vld [tilespmem:s3+$0x7600]  }
0x76: {  	[tilespmem:$0x1FE40] =	vst v0;
	v0 =	vld [tilespmem:s3+$0x5400]  }
0x77: {  	v3 =	vld [tilespmem:s3+$0xF600]  }
0x78: {  	v21 =	vld [tilespmem:s3+$0x7800]  }
0x79: {  	v22 =	vld [tilespmem:s3+$0xF800]  }
0x7a: {  	v13 =	vld [tilespmem:s3+$0xEC00]  }
0x7b: {  	[tilespmem:$0x1FF90] =	vst v0;
	v0 =	vld [tilespmem:s3+$0x5800]  }
0x7c: {  	v14 =	vld [tilespmem:s3+$0x6E00]  }
0x7d: {  	v4 =	vld [tilespmem:s3+$0xEE00]  }
0x7e: {  	v23 =	vld [tilespmem:s3+$0x7000]  }
0x7f: {  	v24 =	vld [tilespmem:s3+$0xF000]  }
0x80: {  	[tilespmem:$0x1FE50] =	vst v0;
	v0 =	vld [tilespmem:s3+$0xD800]  }
0x81: {  	v25 =	vld [tilespmem:s3+$0xE400]  }
0x82: {  	v26 =	vld [tilespmem:s3+$0x6600]  }
0x83: {  	v5 =	vld [tilespmem:s3+$0xE600]  }
0x84: {  	v27 =	vld [tilespmem:s3+$0x6800]  }
0x85: {  	[tilespmem:$0x1FE60] =	vst v0;
	v0 =	vld [tilespmem:s3+$0x4C00]  }
0x86: {  	v28 =	vld [tilespmem:s3+$0xE800]  }
0x87: {  	v30 =	vld [tilespmem:s3+$0xDC00]  }
0x88: {  	v17 =	vld [tilespmem:s3+$0x5E00]  }
0x89: {  	v6 =	vld [tilespmem:s3+$0xDE00]  }
0x8a: {  	[tilespmem:$0x1FFA0] =	vst v0;
	v0 =	vld [tilespmem:s3+$0x5000]  }
0x8b: {  	v31 =	vld [tilespmem:s3+$0x6000]  }
0x8c: {  	v32 =	vld [tilespmem:s3+$0xD400]  }
0x8d: {  	v33 =	vld [tilespmem:s3+$0x5600]  }
0x8e: {  	v7 =	vld [tilespmem:s3+$0xD600]  }
0x8f: {  	[tilespmem:$0x1FE70] =	vst v0;
	v0 =	vld [tilespmem:s3+$0xD000]  }
0x90: {  	v35 =	vld [tilespmem:s3+$0xCC00]  }
0x91: {  	v56 =	vld [tilespmem:s3+$0x4E00]  }
0x92: {  	v36 =	vld [tilespmem:s3+$0xCE00]  }
0x93: {  	v39 =	vld [tilespmem:s3+$0x4400]  }
0x94: {  	[tilespmem:$0x1FE80] =	vst v0;
	v0 =	vld [tilespmem:s3+$0x4600]  }
0x95: {  	v57 =	vld [tilespmem:s3+$0xC400]  }
0x96: {  	v40 =	vld [tilespmem:s3+$0xC600]  }
0x97: {  	v43 =	vld [tilespmem:s3+$0xBC00]  }
0x98: {  	v44 =	vld [tilespmem:s3+$0x3E00]  }
0x99: {  	v15 =	vmul.f32 v15, v29;
	[tilespmem:$0x1FFB0] =	vst v0;
	v0 =	vld [tilespmem:s3+$0x4800]  }
0x9a: {  	v8 =	vld [tilespmem:s3+$0xBE00]  }
0x9b: {  	[tilespmem:$0x1FF00] =	vst v15;
	v15 =	vld [tilespmem:$0x1FF20]  }
0x9c: {  	v45 =	vld [tilespmem:s3+$0xB400]  }
0x9d: {  	v46 =	vld [tilespmem:s3+$0x3600]  }
0x9e: {  	[tilespmem:$0x1FE90] =	vst v0;
	v0 =	vld [tilespmem:s3+$0xC800]  }
0x9f: {  	v9 =	vld [tilespmem:s3+$0xB600]  }
0xa0: {  	v49 =	vld [tilespmem:s3+$0xAC00];
	v12 =	vmul.f32 v12, v15  }
0xa1: {  	v50 =	vld [tilespmem:s3+$0x2E00]  }
0xa2: {  	[tilespmem:$0x1FF30] =	vst v12;
	v12 =	vld [tilespmem:$0x1FF40]  }
0xa3: {  	[tilespmem:$0x1FEA0] =	vst v0;
	v0 =	vld [tilespmem:s3+$0x3C00]  }
0xa4: {  	v10 =	vld [tilespmem:s3+$0xAE00]  }
0xa5: {  	v34 =	vld [tilespmem:s3+$0xB000]  }
0xa6: {  	v52 =	vld [tilespmem:s3+$0xA400]  }
0xa7: {  	v54 =	vld [tilespmem:s3+$0x2600];
	v12 =	vmul.f32 v13, v12  }
0xa8: {  	[tilespmem:$0x1FFC0] =	vst v0;
	v0 =	vld [tilespmem:s3+$0x4000]  }
0xa9: {  	[tilespmem:$0x1FF50] =	vst v12;
	v12 =	vld [tilespmem:$0x1FF70]  }
0xaa: {  	v11 =	vld [tilespmem:s3+$0xA600]  }
0xab: {  	v37 =	vld [tilespmem:s3+$0x2800]  }
0xac: {  	v38 =	vld [tilespmem:s3+$0xA800]  }
0xad: {  	[tilespmem:$0x1FEB0] =	vst v0;
	v0 =	vld [tilespmem:s3+$0xC000]  }
0xae: {  	v25 =	vmul.f32 v25, v12;
	v12 =	vld [tilespmem:$0x1FF80]  }
0xaf: {  	v51 =	vld [tilespmem:s3+$0x1C00]  }
0xb0: {  	v53 =	vld [tilespmem:s3+$0x9C00]  }
0xb1: {  	v55 =	vld [tilespmem:s3+$0x1E00]  }
0xb2: {  	[tilespmem:$0x1FEC0] =	vst v0;
	v0 =	vld [tilespmem:s3+$0x3400]  }
0xb3: {  	v30 =	vmul.f32 v30, v12;
	v12 =	vld [tilespmem:$0x1FF90]  }
0xb4: {  	v58 =	vld [tilespmem:s3+$0x9E00]  }
0xb5: {  	v41 =	vld [tilespmem:s3+$0x2000]  }
0xb6: {  	v42 =	vld [tilespmem:s3+$0xA000]  }
0xb7: {  	[tilespmem:$0x1FFD0] =	vst v0;
	v0 =	vld [tilespmem:s3+$0x3800]  }
0xb8: {  	v13 =	vmul.f32 v32, v12;
	v12 =	vld [tilespmem:$0x1FFA0]  }
0xb9: {  	v59 =	vld [tilespmem:s3+$0x1400]  }
0xba: {  	v60 =	vld [tilespmem:s3+$0x9400]  }
0xbb: {  	v61 =	vld [tilespmem:s3+$0x1600]  }
0xbc: {  	[tilespmem:$0x1FED0] =	vst v0;
	v0 =	vld [tilespmem:s3+$0xB800]  }
0xbd: {  	v35 =	vmul.f32 v35, v12;
	v12 =	vld [tilespmem:$0x1FFB0]  }
0xbe: {  	v62 =	vld [tilespmem:s3+$0x9600]  }
0xbf: {  	v47 =	vld [tilespmem:s3+$0x1800]  }
0xc0: {  	v48 =	vld [tilespmem:s3+$0x9800]  }
0xc1: {  	[tilespmem:$0x1FEE0] =	vst v0;
	v0 =	vld [tilespmem:s3+$0x2C00]  }
0xc2: {  	v40 =	vmul.f32 v40, v12;
	v12 =	vld [tilespmem:$0x1FFC0]  }
0xc3: {  	v63 =	vld [tilespmem:s3+$0x400]  }
0xc4: {  	v1 =	vld [tilespmem:s3+$0x600]  }
0xc5: {  	v20 =	vmul.f32 v3, v20;
	v3 =	vld [tilespmem:s3+$0x800]  }
0xc6: {  	[tilespmem:$0x1FFE0] =	vst v0;
	v0 =	vld [tilespmem:s3+$0x3000]  }
0xc7: {  	v43 =	vmul.f32 v43, v12;
	v12 =	vld [tilespmem:$0x1FFD0]  }
0xc8: {  	v26 =	vmul.f32 v5, v26;
	v5 =	vld [tilespmem:s3+$0xA00]  }
0xc9: {  	v29 =	vmul.f32 v6, v17;
	v6 =	vld [tilespmem:s3+$0x8A00]  }
0xca: {  	v33 =	vmul.f32 v7, v33;
	v7 =	vld [tilespmem:s3+$0xC00]  }
0xcb: {  	[tilespmem:$0x1FEF0] =	vst v0;
	v0 =	vld [tilespmem:s3+$0x2400]  }
0xcc: {  	v45 =	vmul.f32 v45, v12;
	v12 =	vld [tilespmem:$0x1FFE0]  }
0xcd: {  	v36 =	vmul.f32 v36, v56;
	v56 =	vld [tilespmem:s3+$0x8C00]  }
0xce: {  	v39 =	vmul.f32 v57, v39;
	v57 =	vld [tilespmem:s3+$0xE00]  }
0xcf: {  	v44 =	vmul.f32 v8, v44;
	v8 =	vld [tilespmem:s3+$0x8E00]  }
0xd0: {  	v46 =	vmul.f32 v9, v46;
	v9 =	vld [tilespmem:s3+$0x1000];
	[tilespmem:$0x1FFF0] =	vst v0  }
0xd1: {  	v49 =	vmul.f32 v49, v12;
	v12 =	vld [tilespmem:$0x1FFF0]  }
0xd2: {  	v2 =	vmul.f32 v2, v16;
	v50 =	vmul.f32 v10, v50;
	v10 =	vld [tilespmem:s3+$0x9000]  }
0xd3: {  	v4 =	vmul.f32 v4, v14;
	v54 =	vmul.f32 v11, v54;
	v11 =	vld [tilespmem:s3+$0x1200]  }
0xd4: {  	[tilespmem:$0x1FF10] =	vst v2;
	v2 =	vld [tilespmem:s3+$0x8600]  }
0xd5: {  	[tilespmem:$0x1FF60] =	vst v4;
	v4 =	vld [tilespmem:s3+$0x8800]  }
0xd6: {  	s14 =	simm.s32 $0x40;
	v0 =	vld [tilespmem:s3+$0x8400];
	v52 =	vmul.f32 v52, v12  }
.LBB2_4:
0xd7: {  	_ =	sdelay $0x1  }
0xd8: {  	v12 =	vld [tilespmem:s3+$0x9200]  }
0xd9: {  	v61 =	vmul.f32 v62, v61  }
0xda: {  	v62 =	vld [tilespmem:s3+$0x1A00];
	v0 =	vmul.f32 v0, v63;
	v1 =	vmul.f32 v2, v1  }
0xdb: {  	v2 =	vld [tilespmem:s3+$0x9A00];
	v3 =	vmul.f32 v4, v3;
	v4 =	vmul.f32 v6, v5  }
0xdc: {  	v5 =	vld [tilespmem:s3+$0x2200];
	v6 =	vmul.f32 v56, v7;
	v9 =	vmul.f32 v10, v9  }
0xdd: {  	v7 =	vmul.f32 v8, v57;
	v8 =	vld [tilespmem:s3+$0xA200];
	v10 =	vmul.f32 v12, v11  }
0xde: {  	v11 =	vld [tilespmem:s3+$0x2A00];
	v0 =	vadd.f32 v6, v0;
	v6 =	vmul.f32 v48, v47;
	v3 =	vadd.f32 v9, v3  }
0xdf: {  	v12 =	vld [tilespmem:s3+$0xB200];
	v1 =	vadd.f32 v7, v1  }
0xe0: {  	v7 =	vld [tilespmem:s3+$0xAA00];
	v4 =	vadd.f32 v10, v4;
	v10 =	vmul.f32 v42, v41;
	v3 =	vadd.f32 v6, v3  }
0xe1: {  	v9 =	vld [tilespmem:s3+$0x3200];
	v2 =	vmul.f32 v2, v62  }
0xe2: {  	v3 =	vadd.f32 v10, v3;
	v10 =	vld [tilespmem:$0x1FEF0]  }
0xe3: {  	v2 =	vadd.f32 v2, v4;
	v4 =	vmul.f32 v8, v5;
	v5 =	vld [tilespmem:s3+$0x3A00]  }
0xe4: {  	v8 =	vld [tilespmem:s3+$0xBA00]  }
0xe5: {  	v2 =	vadd.f32 v4, v2;
	v4 =	vmul.f32 v7, v11;
	v7 =	vld [tilespmem:s3+$0x4200]  }
0xe6: {  	v11 =	vld [tilespmem:s3+$0xC200]  }
0xe7: {  	v6 =	vmul.f32 v38, v37;
	v2 =	vadd.f32 v4, v2;
	v4 =	vmul.f32 v12, v9;
	v9 =	vld [tilespmem:$0x1FED0]  }
0xe8: {  	v12 =	vld [tilespmem:$0x1FEE0]  }
0xe9: {  	v3 =	vadd.f32 v6, v3;
	v6 =	vld [tilespmem:s3+$0x4A00];
	v10 =	vmul.f32 v34, v10  }
0xea: {  	v2 =	vadd.f32 v4, v2;
	v4 =	vmul.f32 v8, v5;
	v8 =	vld [tilespmem:$0x1FEB0]  }
0xeb: {  	v3 =	vadd.f32 v10, v3;
	v10 =	vld [tilespmem:$0x1FEC0]  }
0xec: {  	v5 =	vld [tilespmem:s3+$0x5200]  }
0xed: {  	v2 =	vadd.f32 v4, v2;
	v4 =	vmul.f32 v11, v7;
	v11 =	vld [tilespmem:$0x1FEA0];
	v9 =	vmul.f32 v12, v9  }
0xee: {  	v12 =	vld [tilespmem:s3+$0xCA00]  }
0xef: {  	v3 =	vadd.f32 v9, v3;
	v9 =	vld [tilespmem:$0x1FE90]  }
0xf0: {  	v8 =	vmul.f32 v10, v8;
	v10 =	vld [tilespmem:s3+$0xD200]  }
0xf1: {  	v7 =	vld [tilespmem:s3+$0x5A00]  }
0xf2: {  	v3 =	vadd.f32 v8, v3;
	v8 =	vld [tilespmem:$0x1FE70]  }
0xf3: {  	v2 =	vadd.f32 v4, v2;
	v4 =	vmul.f32 v12, v6;
	v12 =	vld [tilespmem:$0x1FE80]  }
0xf4: {  	v60 =	vmul.f32 v60, v59;
	v9 =	vmul.f32 v11, v9;
	v11 =	vld [tilespmem:s3+$0xDA00]  }
0xf5: {  	v2 =	vadd.f32 v4, v2;
	v4 =	vmul.f32 v10, v5;
	v10 =	vld [tilespmem:$0x1FE60]  }
0xf6: {  	v51 =	vmul.f32 v53, v51;
	v0 =	vadd.f32 v60, v0;
	v3 =	vadd.f32 v9, v3;
	v9 =	vld [tilespmem:$0x1FE50]  }
0xf7: {  	v6 =	vld [tilespmem:s3+$0x6200]  }
0xf8: {  	v0 =	vadd.f32 v51, v0;
	v5 =	vld [tilespmem:s3+$0x6A00]  }
0xf9: {  	v8 =	vmul.f32 v12, v8;
	v12 =	vld [tilespmem:s3+$0xE200]  }
0xfa: {  	v0 =	vadd.f32 v52, v0;
	v2 =	vadd.f32 v4, v2;
	v4 =	vmul.f32 v11, v7;
	v7 =	vld [tilespmem:s3+$0x7200]  }
0xfb: {  	v32 =	vmul.f32 v58, v55;
	v1 =	vadd.f32 v61, v1;
	v9 =	vmul.f32 v10, v9;
	v10 =	vld [tilespmem:s3+$0xEA00]  }
0xfc: {  	v0 =	vadd.f32 v49, v0;
	v3 =	vadd.f32 v8, v3;
	v8 =	vld [tilespmem:$0x1FE40]  }
0xfd: {  	v1 =	vadd.f32 v32, v1;
	v11 =	vld [tilespmem:s3+$0xF200]  }
0xfe: {  	v0 =	vadd.f32 v45, v0;
	v2 =	vadd.f32 v4, v2;
	v4 =	vmul.f32 v12, v6;
	v6 =	vld [tilespmem:s3+$0x7A00]  }
0xff: {  	v1 =	vadd.f32 v54, v1;
	v12 =	vld [tilespmem:s3+$0xFA00]  }
0x100: {  	v0 =	vadd.f32 v43, v0;
	v2 =	vadd.f32 v4, v2;
	v4 =	vmul.f32 v10, v5;
	v5 =	vld [tilespmem:s3+$0x8200]  }
0x101: {  	v1 =	vadd.f32 v50, v1;
	v10 =	vld [tilespmem:s3+$0x10200]  }
0x102: {  	v0 =	vadd.f32 v39, v0;
	v2 =	vadd.f32 v4, v2;
	v4 =	vmul.f32 v11, v7  }
0x103: {  	s1 =	sshra.s32 s14, $0x2;
	v1 =	vadd.f32 v46, v1;
	v3 =	vadd.f32 v9, v3;
	v8 =	vmul.f32 v8, v31  }
0x104: {  	v0 =	vadd.f32 v35, v0;
	v2 =	vadd.f32 v4, v2;
	v4 =	vmul.f32 v12, v6;
	v6 =	vld [tilespmem:s1+$0xFC00]  }
0x105: {  	v1 =	vadd.f32 v44, v1;
	v9 =	vmul.f32 v28, v27;
	v3 =	vadd.f32 v8, v3  }
0x106: {  	v0 =	vadd.f32 v13, v0;
	v2 =	vadd.f32 v4, v2;
	v4 =	vmul.f32 v10, v5;
	v5 =	vld [tilespmem:s1+$0xFE00]  }
0x107: {  	v1 =	vadd.f32 v40, v1;
	v3 =	vadd.f32 v9, v3;
	v9 =	vld [tilespmem:$0x1FF50]  }
0x108: {  	v0 =	vadd.f32 v30, v0  }
0x109: {  	v1 =	vadd.f32 v36, v1;
	[tilespmem:$0x1FD60] =	vst v6;
	v6 =	vld [tilespmem:$0x1FF30]  }
0x10a: {  	v0 =	vadd.f32 v25, v0  }
0x10b: {  	v1 =	vadd.f32 v33, v1;
	[tilespmem:$0x1FD80] =	vst v5;
	v5 =	vld [tilespmem:$0x1FF00]  }
0x10c: {  	v0 =	vadd.f32 v9, v0;
	v9 =	vld [tilespmem:$0x1FF60]  }
0x10d: {  	v1 =	vadd.f32 v29, v1  }
0x10e: {  	v0 =	vadd.f32 v6, v0  }
0x10f: {  	v1 =	vadd.f32 v26, v1;
	v8 =	vmul.f32 v24, v23  }
0x110: {  	v0 =	vadd.f32 v5, v0;
	v5 =	vld [tilespmem:$0x1FF10]  }
0x111: {  	v3 =	vadd.f32 v8, v3;
	v1 =	vadd.f32 v9, v1;
	v9 =	vmul.f32 v22, v21;
	_ =	sdelay $0x1  }
0x112: {  	v7 =	vld [tilespmem:s3+$0x10400];
	v1 =	vadd.f32 v20, v1;
	v6 =	vmul.f32 v19, v18;
	v3 =	vadd.f32 v9, v3  }
0x113: {  	v11 =	vld [tilespmem:s3+$0x10600];
	v2 =	vadd.f32 v4, v2  }
0x114: {  	v3 =	vadd.f32 v6, v3;
	v1 =	vadd.f32 v5, v1  }
0x115: {  	v13 =	vld [tilespmem:s1+$0x6C00]  }
0x116: {  	v33 =	vld [tilespmem:s1+$0xEC00];
	v0 =	vadd.f32 v1, v0;
	v1 =	vadd.f32 v2, v3  }
0x117: {  	v4 =	vld [tilespmem:s1+$0x10000]  }
0x118: {  	v30 =	vld [tilespmem:s1+$0x7C00];
	v0 =	vadd.f32 v1, v0;
	v1 =	vadd.f32 v11, v7  }
0x119: {  	v3 =	vld [tilespmem:$0x1FD60]  }
0x11a: {  	v0 =	vadd.f32 v0, v1;
	v1 =	vld [tilespmem:s1+$0xF800]  }
0x11b: {  	v8 =	vld [tilespmem:s1+$0x7E00]  }
0x11c: {  	[tilespmem:$0x1FDC0] =	vst v4;
	v4 =	vld [tilespmem:s1+$0x7400]  }
0x11d: {  	v20 =	vld [tilespmem:s1+$0x7600]  }
0x11e: {  	v5 =	vld [tilespmem:s1+$0x8000]  }
0x11f: {  	v3 =	vmul.f32 v3, v30;
	[tilespmem:$0x1FDD0] =	vst v1;
	v1 =	vld [tilespmem:$0x1FE30]  }
0x120: {  	[tilespmem:$0x1FD70] =	vst v8;
	v30 =	vld [tilespmem:$0x1FD80]  }
0x121: {  	[tilespmem:$0x1FF00] =	vst v3;
	v3 =	vld [tilespmem:$0x1FD70]  }
0x122: {  	v6 =	vld [tilespmem:s1+$0xF400]  }
0x123: {  	[tilespmem:$0x1FD90] =	vst v4;
	v4 =	vld [tilespmem:s1+$0xF600]  }
0x124: {  	v2 =	vld [tilespmem:s1+$0x7800];
	v0 =	vadd.f32 v0, v1  }
0x125: {  	[tilespmem:$0x1FDA0] =	vst v5;
	v5 =	vld [tilespmem:s1+$0x6E00]  }
0x126: {  	v3 =	vmul.f32 v30, v3;
	v30 =	vld [tilespmem:$0x1FD90];
	[tilespmem:s3+$0x10810] =	vst v0;
	s3 =	smov.u32 s1  }
0x127: {  	v25 =	vld [tilespmem:s3+$0xEE00]  }
0x128: {  	v0 =	vld [tilespmem:s3+$0x7000]  }
0x129: {  	v26 =	vld [tilespmem:s3+$0x6400]  }
0x12a: {  	v29 =	vld [tilespmem:s3+$0xE400]  }
0x12b: {  	v43 =	vld [tilespmem:s3+$0x6600]  }
0x12c: {  	v44 =	vld [tilespmem:s3+$0xE600]  }
0x12d: {  	v45 =	vld [tilespmem:s3+$0x5C00]  }
0x12e: {  	v46 =	vld [tilespmem:s3+$0xDC00]  }
0x12f: {  	v49 =	vld [tilespmem:s3+$0x5E00]  }
0x130: {  	v7 =	vld [tilespmem:s3+$0xDE00]  }
0x131: {  	v52 =	vld [tilespmem:s3+$0x5400]  }
0x132: {  	v54 =	vld [tilespmem:s3+$0xD400]  }
0x133: {  	[tilespmem:$0x1FDB0] =	vst v0;
	v0 =	vld [tilespmem:s3+$0xF000]  }
0x134: {  	v56 =	vld [tilespmem:s3+$0x5600]  }
0x135: {  	v57 =	vld [tilespmem:s3+$0xD600]  }
0x136: {  	v35 =	vld [tilespmem:s3+$0x4C00]  }
0x137: {  	v39 =	vld [tilespmem:s3+$0xCC00]  }
0x138: {  	[tilespmem:$0x1FDF0] =	vst v0;
	v0 =	vld [tilespmem:s3+$0x6800]  }
0x139: {  	v10 =	vld [tilespmem:s3+$0x4E00]  }
0x13a: {  	v36 =	vld [tilespmem:s3+$0xCE00]  }
0x13b: {  	v8 =	vld [tilespmem:s3+$0x4400]  }
0x13c: {  	v40 =	vld [tilespmem:s3+$0xC400]  }
0x13d: {  	[tilespmem:$0x1FE10] =	vst v0;
	v0 =	vld [tilespmem:s3+$0xE800]  }
0x13e: {  	v14 =	vld [tilespmem:s3+$0x4600]  }
0x13f: {  	v15 =	vld [tilespmem:s3+$0xC600]  }
0x140: {  	v16 =	vld [tilespmem:s3+$0x3C00]  }
0x141: {  	v17 =	vld [tilespmem:s3+$0xBC00]  }
0x142: {  	[tilespmem:$0x1FE00] =	vst v0;
	v0 =	vld [tilespmem:s3+$0x6000]  }
0x143: {  	v18 =	vld [tilespmem:s3+$0x3E00]  }
0x144: {  	v9 =	vld [tilespmem:s3+$0xBE00]  }
0x145: {  	v23 =	vld [tilespmem:s3+$0x3400]  }
0x146: {  	v19 =	vld [tilespmem:s3+$0xB400]  }
0x147: {  	[tilespmem:$0x1FE20] =	vst v0;
	v0 =	vld [tilespmem:s3+$0xE000]  }
0x148: {  	v21 =	vld [tilespmem:s3+$0x3600]  }
0x149: {  	v22 =	vld [tilespmem:s3+$0xB600]  }
0x14a: {  	v24 =	vld [tilespmem:s3+$0x2C00]  }
0x14b: {  	v11 =	vld [tilespmem:s3+$0xAC00]  }
0x14c: {  	[tilespmem:$0x1FE40] =	vst v0;
	v0 =	vld [tilespmem:s3+$0x5800]  }
0x14d: {  	v32 =	vld [tilespmem:s3+$0x2E00]  }
0x14e: {  	v50 =	vld [tilespmem:s3+$0xAE00]  }
0x14f: {  	v34 =	vld [tilespmem:s3+$0xB000]  }
0x150: {  	v27 =	vld [tilespmem:s3+$0x2400]  }
0x151: {  	[tilespmem:$0x1FE50] =	vst v0;
	v0 =	vld [tilespmem:s3+$0xD800]  }
0x152: {  	v28 =	vld [tilespmem:s3+$0xA400]  }
0x153: {  	v12 =	vld [tilespmem:s3+$0x2600]  }
0x154: {  	v31 =	vld [tilespmem:s3+$0xA600]  }
0x155: {  	v37 =	vld [tilespmem:s3+$0x2800]  }
0x156: {  	[tilespmem:$0x1FE60] =	vst v0;
	v0 =	vld [tilespmem:s3+$0x5000]  }
0x157: {  	v38 =	vld [tilespmem:s3+$0xA800]  }
0x158: {  	v51 =	vld [tilespmem:s3+$0x1C00]  }
0x159: {  	v53 =	vld [tilespmem:s3+$0x9C00]  }
0x15a: {  	v55 =	vld [tilespmem:s3+$0x1E00]  }
0x15b: {  	[tilespmem:$0x1FE70] =	vst v0;
	v0 =	vld [tilespmem:s3+$0xD000]  }
0x15c: {  	v58 =	vld [tilespmem:s3+$0x9E00]  }
0x15d: {  	v41 =	vld [tilespmem:s3+$0x2000]  }
0x15e: {  	v42 =	vld [tilespmem:s3+$0xA000]  }
0x15f: {  	v59 =	vld [tilespmem:s3+$0x1400]  }
0x160: {  	[tilespmem:$0x1FE80] =	vst v0;
	v0 =	vld [tilespmem:s3+$0x4800]  }
0x161: {  	v60 =	vld [tilespmem:s3+$0x9400]  }
0x162: {  	v61 =	vld [tilespmem:s3+$0x1600]  }
0x163: {  	v62 =	vld [tilespmem:s3+$0x9600]  }
0x164: {  	v47 =	vld [tilespmem:s3+$0x1800]  }
0x165: {  	[tilespmem:$0x1FE90] =	vst v0;
	v0 =	vld [tilespmem:s3+$0xC800]  }
0x166: {  	v48 =	vld [tilespmem:s3+$0x9800]  }
0x167: {  	v63 =	vld [tilespmem:s3+$0x400]  }
0x168: {  	[tilespmem:$0x1FDE0] =	vst v2;
	v1 =	vld [tilespmem:s3+$0x600]  }
0x169: {  	[tilespmem:$0x1FF10] =	vst v3;
	v2 =	vld [tilespmem:s3+$0x8600];
	v6 =	vmul.f32 v6, v30  }
0x16a: {  	[tilespmem:$0x1FEA0] =	vst v0;
	v0 =	vld [tilespmem:s3+$0x4000]  }
0x16b: {  	v3 =	vld [tilespmem:s3+$0x800];
	[tilespmem:$0x1FF30] =	vst v6;
	v6 =	vmul.f32 v33, v13  }
0x16c: {  	v20 =	vmul.f32 v4, v20;
	v4 =	vld [tilespmem:s3+$0x8800]  }
0x16d: {  	[tilespmem:$0x1FF50] =	vst v6;
	v6 =	vld [tilespmem:s3+$0x8A00];
	v5 =	vmul.f32 v25, v5  }
0x16e: {  	v25 =	vmul.f32 v29, v26;
	v29 =	vmul.f32 v7, v49;
	v7 =	vld [tilespmem:s3+$0xC00]  }
0x16f: {  	[tilespmem:$0x1FEB0] =	vst v0;
	v0 =	vld [tilespmem:s3+$0xC000]  }
0x170: {  	v33 =	vmul.f32 v57, v56;
	v56 =	vld [tilespmem:s3+$0x8C00]  }
0x171: {  	v57 =	vld [tilespmem:s3+$0xE00]  }
0x172: {  	v35 =	vmul.f32 v39, v35;
	v39 =	vmul.f32 v40, v8;
	v8 =	vld [tilespmem:s3+$0x8E00]  }
0x173: {  	v26 =	vmul.f32 v44, v43;
	v44 =	vmul.f32 v9, v18;
	v18 =	vld [tilespmem:$0x1FDA0]  }
0x174: {  	[tilespmem:$0x1FEC0] =	vst v0;
	v0 =	vld [tilespmem:s3+$0x3800]  }
0x175: {  	v9 =	vld [tilespmem:s3+$0x1000]  }
0x176: {  	v30 =	vmul.f32 v46, v45;
	v45 =	vmul.f32 v19, v23;
	v19 =	vld [tilespmem:$0x1FDC0]  }
0x177: {  	v46 =	vmul.f32 v22, v21;
	v22 =	vld [tilespmem:$0x1FDD0]  }
0x178: {  	v21 =	vld [tilespmem:$0x1FDE0]  }
0x179: {  	[tilespmem:$0x1FED0] =	vst v0;
	v0 =	vld [tilespmem:s3+$0xB800]  }
0x17a: {  	v36 =	vmul.f32 v36, v10;
	v10 =	vld [tilespmem:s3+$0x9000]  }
0x17b: {  	v49 =	vmul.f32 v11, v24;
	v11 =	vld [tilespmem:s3+$0x1200]  }
0x17c: {  	v23 =	vld [tilespmem:$0x1FDB0]  }
0x17d: {  	[tilespmem:$0x1FF60] =	vst v5;
	v5 =	vld [tilespmem:s3+$0xA00]  }
0x17e: {  	p0 =	sne.s32 s14, $0x7C0;
	[tilespmem:$0x1FEE0] =	vst v0;
	v0 =	vld [tilespmem:s3+$0x3000]  }
.Ltmp1:
0x17f: {  	v24 =	vld [tilespmem:$0x1FDF0];
	(pc) =	sbr.rel @p0 .LBB2_4-.Ltmp1, $4  }
0x180: {  	v13 =	vmul.f32 v54, v52;
	v52 =	vmul.f32 v28, v27;
	v27 =	vld [tilespmem:$0x1FE10]  }
0x181: {  	v28 =	vld [tilespmem:$0x1FE00]  }
0x182: {  	v40 =	vmul.f32 v15, v14;
	v54 =	vmul.f32 v31, v12;
	v31 =	vld [tilespmem:$0x1FE20]  }
0x183: {  	s14 =	sadd.s32 $0x40, s14;
	v43 =	vmul.f32 v17, v16;
	v50 =	vmul.f32 v50, v32;
	[tilespmem:$0x1FEF0] =	vst v0;
	v0 =	vld [tilespmem:s3+$0x8400]  }
0x184: {  	v14 =	vld [tilespmem:s3+$0x9200]  }
0x185: {  	v17 =	vld [tilespmem:s3+$0x1A00]  }
0x186: {  	v15 =	vmul.f32 v60, v59;
	v60 =	vld [tilespmem:s3+$0x9A00]  }
0x187: {  	v16 =	vmul.f32 v62, v61;
	v62 =	vld [tilespmem:s3+$0x2200]  }
0x188: {  	v12 =	vmul.f32 v53, v51;
	v53 =	vld [tilespmem:s3+$0xA200]  }
0x189: {  	v32 =	vmul.f32 v58, v55;
	v58 =	vld [tilespmem:s3+$0xAA00]  }
0x18a: {  	v1 =	vmul.f32 v2, v1;
	v59 =	vld [tilespmem:s3+$0x3200]  }
0x18b: {  	v51 =	vmul.f32 v8, v57;
	v57 =	vmul.f32 v48, v47;
	v47 =	vld [tilespmem:$0x1FED0]  }
0x18c: {  	v3 =	vmul.f32 v4, v3;
	v9 =	vmul.f32 v10, v9;
	v48 =	vld [tilespmem:$0x1FEE0]  }
0x18d: {  	v1 =	vadd.f32 v51, v1;
	v51 =	vld [tilespmem:s3+$0x5200]  }
0x18e: {  	v3 =	vadd.f32 v9, v3;
	v0 =	vmul.f32 v0, v63;
	v63 =	vmul.f32 v56, v7;
	v56 =	vld [tilespmem:s3+$0x2A00]  }
0x18f: {  	v1 =	vadd.f32 v16, v1;
	v16 =	vld [tilespmem:s3+$0xBA00]  }
0x190: {  	v3 =	vadd.f32 v57, v3;
	v57 =	vld [tilespmem:$0x1FE90]  }
0x191: {  	v2 =	vmul.f32 v60, v17;
	v60 =	vmul.f32 v42, v41;
	v42 =	vld [tilespmem:s3+$0x4A00]  }
0x192: {  	v62 =	vmul.f32 v53, v62;
	v53 =	vld [tilespmem:$0x1FEC0]  }
0x193: {  	v9 =	vmul.f32 v48, v47;
	v48 =	vld [tilespmem:s3+$0x10200]  }
0x194: {  	v61 =	vmul.f32 v6, v5;
	v55 =	vmul.f32 v14, v11;
	v0 =	vadd.f32 v63, v0;
	v63 =	vld [tilespmem:s3+$0x3A00]  }
0x195: {  	v1 =	vadd.f32 v32, v1;
	v32 =	vld [tilespmem:s3+$0x4200]  }
0x196: {  	v4 =	vadd.f32 v55, v61;
	v61 =	vld [tilespmem:s3+$0xB200]  }
0x197: {  	v0 =	vadd.f32 v15, v0;
	v15 =	vmul.f32 v38, v37;
	v37 =	vld [tilespmem:$0x1FEF0]  }
0x198: {  	v38 =	vld [tilespmem:s3+$0xC200]  }
0x199: {  	v1 =	vadd.f32 v54, v1;
	v54 =	vld [tilespmem:s3+$0xD200]  }
0x19a: {  	v2 =	vadd.f32 v2, v4;
	v17 =	vmul.f32 v58, v56;
	v56 =	vld [tilespmem:s3+$0x5A00];
	v0 =	vadd.f32 v12, v0  }
0x19b: {  	v58 =	vld [tilespmem:$0x1FEA0]  }
0x19c: {  	v2 =	vadd.f32 v62, v2;
	v62 =	vld [tilespmem:$0x1FE70];
	v0 =	vadd.f32 v52, v0  }
0x19d: {  	v1 =	vadd.f32 v50, v1;
	v50 =	vmul.f32 v16, v63;
	v63 =	vld [tilespmem:$0x1FE80]  }
0x19e: {  	v16 =	vld [tilespmem:s3+$0xE200];
	v0 =	vadd.f32 v49, v0  }
0x19f: {  	v3 =	vadd.f32 v60, v3;
	v52 =	vld [tilespmem:$0x1FEB0]  }
0x1a0: {  	v41 =	vmul.f32 v61, v59;
	v59 =	vld [tilespmem:s3+$0xDA00];
	v0 =	vadd.f32 v45, v0  }
0x1a1: {  	v3 =	vadd.f32 v15, v3;
	v61 =	vld [tilespmem:s3+$0x6200];
	v10 =	vmul.f32 v34, v37;
	v2 =	vadd.f32 v17, v2  }
0x1a2: {  	v1 =	vadd.f32 v46, v1;
	v49 =	vld [tilespmem:s3+$0xCA00];
	v0 =	vadd.f32 v43, v0  }
0x1a3: {  	v46 =	vld [tilespmem:s3+$0x8200];
	v3 =	vadd.f32 v10, v3;
	v2 =	vadd.f32 v41, v2  }
0x1a4: {  	v55 =	vmul.f32 v38, v32;
	v32 =	vld [tilespmem:s3+$0x6A00];
	v0 =	vadd.f32 v39, v0  }
0x1a5: {  	v34 =	vld [tilespmem:$0x1FE50];
	v8 =	vmul.f32 v53, v52;
	v3 =	vadd.f32 v9, v3;
	v2 =	vadd.f32 v50, v2  }
0x1a6: {  	v1 =	vadd.f32 v44, v1;
	v9 =	vmul.f32 v58, v57;
	v0 =	vadd.f32 v35, v0;
	v35 =	vld [tilespmem:$0x1FE60]  }
0x1a7: {  	v38 =	vld [tilespmem:s3+$0x7200];
	v3 =	vadd.f32 v8, v3;
	v2 =	vadd.f32 v55, v2;
	v60 =	vmul.f32 v49, v42  }
0x1a8: {  	v17 =	vmul.f32 v54, v51;
	v1 =	vadd.f32 v40, v1;
	v39 =	vld [tilespmem:$0x1FE40]  }
0x1a9: {  	v51 =	vld [tilespmem:$0x1FF60];
	v8 =	vmul.f32 v63, v62;
	v3 =	vadd.f32 v9, v3;
	v2 =	vadd.f32 v60, v2  }
0x1aa: {  	v37 =	vmul.f32 v59, v56;
	v1 =	vadd.f32 v36, v1;
	v36 =	vld [tilespmem:s3+$0xEA00]  }
0x1ab: {  	v44 =	vld [tilespmem:s3+$0xFA00];
	v3 =	vadd.f32 v8, v3;
	v2 =	vadd.f32 v17, v2;
	v9 =	vmul.f32 v35, v34  }
0x1ac: {  	v40 =	vld [tilespmem:s3+$0xF200];
	v41 =	vmul.f32 v16, v61;
	v1 =	vadd.f32 v33, v1;
	v0 =	vadd.f32 v13, v0  }
0x1ad: {  	v50 =	vld [tilespmem:$0x1FF50];
	v8 =	vmul.f32 v39, v31;
	v2 =	vadd.f32 v37, v2;
	v3 =	vadd.f32 v9, v3  }
0x1ae: {  	v43 =	vmul.f32 v28, v27;
	v42 =	vld [tilespmem:s3+$0x7A00];
	v1 =	vadd.f32 v29, v1;
	v0 =	vadd.f32 v30, v0  }
0x1af: {  	v54 =	vld [tilespmem:$0x1FF30];
	v45 =	vmul.f32 v36, v32;
	v2 =	vadd.f32 v41, v2;
	v3 =	vadd.f32 v8, v3  }
0x1b0: {  	v47 =	vmul.f32 v24, v23;
	v58 =	vld [tilespmem:$0x1FF00];
	v1 =	vadd.f32 v26, v1;
	v0 =	vadd.f32 v25, v0  }
0x1b1: {  	v59 =	vld [tilespmem:$0x1FF10];
	v49 =	vmul.f32 v40, v38;
	v2 =	vadd.f32 v45, v2;
	v3 =	vadd.f32 v43, v3  }
0x1b2: {  	v52 =	vmul.f32 v22, v21;
	v1 =	vadd.f32 v51, v1;
	v0 =	vadd.f32 v50, v0  }
0x1b3: {  	v53 =	vmul.f32 v44, v42;
	v2 =	vadd.f32 v49, v2;
	v3 =	vadd.f32 v47, v3  }
0x1b4: {  	v56 =	vmul.f32 v48, v46;
	v1 =	vadd.f32 v20, v1;
	v0 =	vadd.f32 v54, v0  }
0x1b5: {  	v57 =	vld [tilespmem:s3+$0x10400];
	v55 =	vmul.f32 v19, v18;
	v2 =	vadd.f32 v53, v2;
	v3 =	vadd.f32 v52, v3  }
0x1b6: {  	v60 =	vld [tilespmem:s3+$0x10600];
	v1 =	vadd.f32 v59, v1;
	v0 =	vadd.f32 v58, v0  }
0x1b7: {  	v2 =	vadd.f32 v56, v2;
	v3 =	vadd.f32 v55, v3;
	_ =	sdelay $0x1  }
0x1b8: {  	v0 =	vadd.f32 v1, v0;
	v61 =	vadd.f32 v2, v3  }
0x1b9: {  	v63 =	vld [tilespmem:$0x1FE30]  }
0x1ba: {  	v62 =	vadd.f32 v60, v57;
	v0 =	vadd.f32 v61, v0;
	_ =	sdelay $0x1  }
0x1bb: {  	v0 =	vadd.f32 v0, v62;
	_ =	sdelay $0x1  }
0x1bc: {  	s0 =	sadd.s32 $0x1, s0;
	v0 =	vadd.f32 v0, v63  }
0x1bd: {  	p0 =	sne.s32 s0, s11  }
.Ltmp2:
0x1be: {  	[tilespmem:s3+$0x10810] =	vst v0;
	(pc) =	sbr.rel @p0 .LBB2_1-.Ltmp2, $4  }
0x1bf: {  	[hbm4b:s10+s2] =	stream.linear.scatter [tilespmem:s31], [sflag:$0x2], $0x200, $0x38;
	[tilespmem:$0x10A10] =	vst v63  }
0x1c0: {  	_ =	swait.ge [sflag:s12], $0x200  }
0x1c1: {  	[sflag:s12] =	ssyncset.done $0x0  }
0x1c2: {  	[sflag:s12] =	ssyncadd.s32 $0xFFFFFE00  }
0x1c3: {  	_ =	sfence.sel $0x180000  }
0x1c4: {  	[bflag:$0x0] =	sbarrier.arrive $0xFFFF  }
0x1c5: {  	_ =	strace $0x90000047  }
0x1c6: {  	s0 =	stileid.u32;
	[bflag:$0x2] =	sbarrier.arrive $0xFFFF  }
0x1c7: {  	p0 =	sne.s32 s0, $0x0;
	s0 =	rddreg [dreg:$0x4]  }
0x1c8: {  	s0 =	sadd.s32 @!p0 $0x100000, s0  }
0x1c9: {  	[sflag:s0] =	ssyncadd.tile.s32 @!p0 $0x1;
	_ =	shalt  }
.Lfunc_end2:
_tile_overlayer_lowered:
.L_overlay_start_2:
0x1ca: {  	(tag) =	ssettag $0x2  }
0x1cb: {  	s0 =	rddreg [dreg:$0x0];
	s2 =	stileid.u32  }
0x1cc: {  	s1 =	rddreg [dreg:$0x1];
	p0 =	sne.s32 s2, $0x0  }
0x1cd: {  	s3 =	rddreg [dreg:$0x2];
	[bflag:$0x3] =	sbarrier.arrive $0xFFFF;
	s2 =	simm.s32 @!p0 $0x1C02  }
0x1ce: {  	[timem:s3], [sflag:s2] =	dma.local @!p0 [hbm:s0], s1  }
0x1cf: {  	s0 =	simm.s32 @!p0 $0x2  }
0x1d0: {  	_ =	swait.ge @!p0 [sflag:s0], s1  }
0x1d1: {  	s1 =	ssub.s32 @!p0 $0x0, s1;
	[sflag:s0] =	ssyncset.done @!p0 $0x0  }
0x1d2: {  	[sflag:s0] =	ssyncadd.s32 @!p0 s1  }
0x1d3: {  	[bflag:$0x3] =	sbarrier.arrive $0xFFFF  }
0x1d4: {  	_ =	shalt  }

</sc_bundles>
